<compile_context>
chip_gen: v7x
topology: tpu7x:2x2x1
jax: 0.10.2.dev20260603
libtpu: 0.0.44.dev20260713+nightly
codegen_flags: <defaults>
</compile_context>

<pallas_src>
import functools

import jax
import jax.numpy as jnp
from jax import lax
from jax.experimental import pallas as pl
from jax.experimental.pallas import tpu as pltpu
from jax.experimental.pallas import tpu_sc as plsc

F = 20
K = 32
B = 1024
L = 16
NC, NS = 2, 16
NW = NC * NS
BPW = B // NW
WS = 24


def _sc_gather(user, product, uf_t, pf):
  mesh = plsc.VectorSubcoreMesh(core_axis_name="c", subcore_axis_name="s")

  @functools.partial(
      pl.kernel,
      mesh=mesh,
      compiler_params=pltpu.CompilerParams(
          use_tc_tiling_on_sc=True, needs_layout_passes=False),
      out_type=[
          jax.ShapeDtypeStruct((B, K), jnp.float32),
          jax.ShapeDtypeStruct((B, K), jnp.float32),
      ],
      scratch_types=[
          pltpu.VMEM((BPW,), jnp.int32),
          pltpu.VMEM((BPW,), jnp.int32),
          pltpu.VMEM((BPW * WS, 128), jnp.float32),
          pltpu.VMEM((BPW, K), jnp.float32),
          pltpu.VMEM((BPW, K), jnp.float32),
          pltpu.SemaphoreType.DMA,
      ],
  )
  def gather_kernel(user_hbm, prod_hbm, uft_hbm, pf_hbm, u_out, p_out,
                    uidx_v, pidx_v, win_v, u_slab, p_slab, sem):
    c = lax.axis_index("c")
    s = lax.axis_index("s")
    base = (c * NS + s) * BPW
    pltpu.sync_copy(user_hbm.at[pl.ds(base, BPW)], uidx_v)
    pltpu.sync_copy(prod_hbm.at[pl.ds(base, BPW)], pidx_v)

    iota = lax.iota(jnp.int32, L)
    zeros = jnp.zeros((L,), jnp.float32)
    iota_ws = iota * WS

    def gather_one(idx_v, table_hbm, slab_v):
      @pl.loop(0, BPW // L)
      def _(i):
        part = idx_v[pl.ds(i * L, L)]
        hi = lax.bitwise_and(part, -128)
        for j in range(L):
          col = pl.multiple_of(hi[j], 128)
          pltpu.async_copy(
              table_hbm.at[:, pl.ds(col, 128)],
              win_v.at[pl.ds((i * L + j) * WS, F)], sem)

      @pl.loop(0, BPW)
      def _(b):
        pltpu.make_async_copy(
            table_hbm.at[:, pl.ds(0, 128)], win_v.at[pl.ds(0, F)], sem
        ).wait()

      @pl.loop(0, BPW // L)
      def _(i):
        lo = lax.bitwise_and(idx_v[pl.ds(i * L, L)], 127)
        bvec = i * L + iota
        for k in range(K):
          if k < F:
            vals = plsc.load_gather(win_v, [iota_ws + (i * L * WS + k), lo])
          else:
            vals = zeros
          plsc.store_scatter(slab_v, [bvec, jnp.full((L,), k, jnp.int32)],
                             vals)

    gather_one(uidx_v, uft_hbm, u_slab)
    pltpu.sync_copy(u_slab, u_out.at[pl.ds(base, BPW)])
    gather_one(pidx_v, pf_hbm, p_slab)
    pltpu.sync_copy(p_slab, p_out.at[pl.ds(base, BPW)])

  return gather_kernel(user, product, uf_t, pf)


def _mm_body(u_ref, p_ref, o_ref):
  o_ref[...] = lax.dot_general(
      u_ref[...], p_ref[...], (((1,), (1,)), ((), ())),
      preferred_element_type=jnp.float32)


def _tc_matmul(u, p):
  bm = 1024
  return pl.pallas_call(
      _mm_body,
      grid=(B // bm,),
      in_specs=[
          pl.BlockSpec((bm, K), lambda i: (i, 0)),
          pl.BlockSpec((B, K), lambda i: (0, 0)),
      ],
      out_specs=pl.BlockSpec((bm, B), lambda i: (i, 0)),
      out_shape=jax.ShapeDtypeStruct((B, B), jnp.float32),
  )(u, p)


def kernel(user, product, user_factors, product_factors):
  u, p = _sc_gather(user, product, user_factors.T, product_factors)
  return _tc_matmul(u, p)

# --- scband reference (transcript-rebuilt; emitter-appended) ---
"""Pipeline reference for scband-matrix-factorization-42417097015493 (READ-ONLY COPY).

The authoritative reference and input builder live on the scoring server;
editing this copy changes nothing except your own understanding.
"""

import jax, jax.numpy as jnp
import numpy as np
import math

N_USERS = 1000000
N_PRODUCTS = 100000
N_FACTORS = 20
LAMBDA = math.sqrt(1.0 / N_FACTORS)
BATCH = 1024


def setup_inputs(seed: int = 0) -> dict:
    key = jax.random.key(seed)
    k1, k2 = jax.random.split(key, 2)
    user = jax.random.randint(k1, (BATCH,), 0, N_USERS, dtype=jnp.int64 if jax.config.jax_enable_x64 else jnp.int32)
    product = jax.random.randint(k2, (BATCH,), 0, N_PRODUCTS, dtype=jnp.int64 if jax.config.jax_enable_x64 else jnp.int32)
    user_factors = jnp.full((N_USERS, N_FACTORS), LAMBDA, dtype=jnp.float32)
    product_factors = jnp.full((N_FACTORS, N_PRODUCTS), LAMBDA, dtype=jnp.float32)
    return {
        "user": user,
        "product": product,
        "user_factors": user_factors,
        "product_factors": product_factors,
    }


def reference(user, product, user_factors, product_factors):
    # gather rows of user_factors and columns of product_factors, then matmul
    u = jnp.take(user_factors, user, axis=0)          # [B, n_factors]
    p = jnp.take(product_factors, product, axis=1)    # [n_factors, B]
    return jnp.matmul(u, p)                           # [B, B]

if __name__ == "__main__":
    import jax
    _d = setup_inputs()
    print(jax.jit(kernel)(*tuple(_d.values())))

</pallas_src>

<mosaic_0001>
#map = affine_map<(d0, d1) -> (0)>
#map1 = affine_map<(d0, d1) -> (0, 0)>
module attributes {stable_mosaic.version = 14 : i64} {
  func.func @gather_kernel(%arg0: i32, %arg1: i32, %arg2: memref<1024xi32, #tpu.memory_space<hbm>>, %arg3: memref<1024xi32, #tpu.memory_space<hbm>>, %arg4: memref<20x1000000xf32, #tpu.memory_space<hbm>>, %arg5: memref<20x100000xf32, #tpu.memory_space<hbm>>, %arg6: memref<1024x32xf32, #tpu.memory_space<hbm>>, %arg7: memref<1024x32xf32, #tpu.memory_space<hbm>>, %arg8: memref<32xi32, #tpu.memory_space<vmem>>, %arg9: memref<32xi32, #tpu.memory_space<vmem>>, %arg10: memref<768x128xf32, #tpu.memory_space<vmem>>, %arg11: memref<32x32xf32, #tpu.memory_space<vmem>>, %arg12: memref<32x32xf32, #tpu.memory_space<vmem>>, %arg13: memref<!tpu.dma_semaphore, #tpu.memory_space<semaphore_mem>>) attributes {dimension_semantics = [#tpu.dimension_semantics<core_parallel>, #tpu.dimension_semantics<subcore_parallel>], iteration_bounds = array<i64: 2, 16>, scalar_prefetch = 0 : i64, scratch_operands = 6 : i64, tpu.core_type = #tpu.core_type<sc_vector_subcore>, window_params = [{transform_indices = #map}, {transform_indices = #map}, {transform_indices = #map1}, {transform_indices = #map1}, {transform_indices = #map1}, {transform_indices = #map1}]} {
    %mul3A = arith.constant 16 : i32
    %mul3A_0 = arith.muli %arg0, %mul3A : i32
    %add3A = arith.addi %mul3A_0, %arg1 : i32
    %mul3A_1 = arith.constant 32 : i32
    %mul3A_2 = arith.muli %add3A, %mul3A_1 : i32
    "tpu.region"() ({
      %run_scoped3A = tpu.sem_alloc : memref<!tpu.dma_semaphore, #tpu.memory_space<semaphore_mem>>
      %dma_start3A = tpu.memref_slice %arg2[%mul3A_2] : memref<1024xi32, #tpu.memory_space<hbm>> -> memref<32xi32, #tpu.memory_space<hbm>>
      %dma_start3A_36 = tpu.memref_slice %arg2[%mul3A_2] : memref<1024xi32, #tpu.memory_space<hbm>> -> memref<32xi32, #tpu.memory_space<hbm>>
      tpu.enqueue_dma source(%dma_start3A_36 : memref<32xi32, #tpu.memory_space<hbm>>) target(%arg8 : memref<32xi32, #tpu.memory_space<vmem>>) target_semaphore(%run_scoped3A : memref<!tpu.dma_semaphore, #tpu.memory_space<semaphore_mem>>)
      %dma_wait3A = tpu.memref_slice %arg2[%mul3A_2] : memref<1024xi32, #tpu.memory_space<hbm>> -> memref<32xi32, #tpu.memory_space<hbm>>
      %dma_wait3A_37 = tpu.memref_slice %arg2[%mul3A_2] : memref<1024xi32, #tpu.memory_space<hbm>> -> memref<32xi32, #tpu.memory_space<hbm>>
      tpu.wait_dma2 semaphore(%run_scoped3A : memref<!tpu.dma_semaphore, #tpu.memory_space<semaphore_mem>>) src(%dma_wait3A_37 : memref<32xi32, #tpu.memory_space<hbm>>) dst(%arg8 : memref<32xi32, #tpu.memory_space<vmem>>)
      tpu.yield
    }) : () -> ()
    "tpu.region"() ({
      %run_scoped3A = tpu.sem_alloc : memref<!tpu.dma_semaphore, #tpu.memory_space<semaphore_mem>>
      %dma_start3A = tpu.memref_slice %arg3[%mul3A_2] : memref<1024xi32, #tpu.memory_space<hbm>> -> memref<32xi32, #tpu.memory_space<hbm>>
      %dma_start3A_36 = tpu.memref_slice %arg3[%mul3A_2] : memref<1024xi32, #tpu.memory_space<hbm>> -> memref<32xi32, #tpu.memory_space<hbm>>
      tpu.enqueue_dma source(%dma_start3A_36 : memref<32xi32, #tpu.memory_space<hbm>>) target(%arg9 : memref<32xi32, #tpu.memory_space<vmem>>) target_semaphore(%run_scoped3A : memref<!tpu.dma_semaphore, #tpu.memory_space<semaphore_mem>>)
      %dma_wait3A = tpu.memref_slice %arg3[%mul3A_2] : memref<1024xi32, #tpu.memory_space<hbm>> -> memref<32xi32, #tpu.memory_space<hbm>>
      %dma_wait3A_37 = tpu.memref_slice %arg3[%mul3A_2] : memref<1024xi32, #tpu.memory_space<hbm>> -> memref<32xi32, #tpu.memory_space<hbm>>
      tpu.wait_dma2 semaphore(%run_scoped3A : memref<!tpu.dma_semaphore, #tpu.memory_space<semaphore_mem>>) src(%dma_wait3A_37 : memref<32xi32, #tpu.memory_space<hbm>>) dst(%arg9 : memref<32xi32, #tpu.memory_space<vmem>>)
      tpu.yield
    }) : () -> ()
    %iota3A = tpu.iota {dimensions = array<i32: 0>} : vector<16xi32>
    %broadcast_in_dim3A = arith.constant 0.000000e+00 : f32
    %broadcast_in_dim3A_3 = vector.broadcast %broadcast_in_dim3A : f32 to vector<16xf32>
    %mul3A_4 = arith.constant 24 : i32
    %mul3A_5 = vector.broadcast %mul3A_4 : i32 to vector<16xi32>
    %mul3A_6 = arith.muli %iota3A, %mul3A_5 : vector<16xi32>
    %scan3A = arith.constant 0 : i32
    %scan3A_7 = arith.constant 2 : i32
    %scan3A_8 = arith.addi %scan3A, %scan3A_7 : i32
    %scan3A_9 = arith.constant 1 : i32
    scf.for %scan3A_36 = %scan3A to %scan3A_8 step %scan3A_9  : i32 {
      %mul3A_37 = arith.constant 1 : i32
      %mul3A_38 = arith.muli %scan3A_36, %mul3A_37 : i32
      %add3A_39 = arith.constant 0 : i32
      %add3A_40 = arith.addi %add3A_39, %mul3A_38 : i32
      %mul3A_41 = arith.constant 16 : i32
      %mul3A_42 = arith.muli %add3A_40, %mul3A_41 : i32
      %get3A = arith.index_cast %mul3A_42 : i32 to index
      %get3A_43 = tpu.vector_load %arg8[%get3A] {strides = array<i32>} : memref<32xi32, #tpu.memory_space<vmem>>, vector<16xi32>,
      %and3A = arith.constant -128 : i32
      %and3A_44 = vector.broadcast %and3A : i32 to vector<16xi32>
      %and3A_45 = arith.andi %get3A_43, %and3A_44 : vector<16xi32>
      %slice3A = vector.extract_strided_slice %and3A_45 {offsets = [0], sizes = [1], strides = [1]} : vector<16xi32> to vector<1xi32>
      %squeeze3A = vector.extract %slice3A[0] : i32 from vector<1xi32>
      %multiple_of3A = tpu.assume_multiple %squeeze3A, 128 : i32
      %mul3A_46 = arith.constant 16 : i32
      %mul3A_47 = arith.muli %add3A_40, %mul3A_46 : i32
      %add3A_48 = arith.constant 0 : i32
      %add3A_49 = arith.addi %mul3A_47, %add3A_48 : i32
      %mul3A_50 = arith.constant 24 : i32
      %mul3A_51 = arith.muli %add3A_49, %mul3A_50 : i32
      %dma_start3A = arith.constant 0 : i32
      %dma_start3A_52 = tpu.memref_slice %arg10[%mul3A_51, %dma_start3A] : memref<768x128xf32, #tpu.memory_space<vmem>> -> memref<20x128xf32, #tpu.memory_space<vmem>>
      %dma_start3A_53 = arith.constant 0 : i32
      %dma_start3A_54 = tpu.memref_slice %arg4[%dma_start3A_53, %multiple_of3A] : memref<20x1000000xf32, #tpu.memory_space<hbm>> -> memref<20x128xf32, #tpu.memory_space<hbm>>
      %dma_start3A_55 = arith.constant 0 : i32
      %dma_start3A_56 = tpu.memref_slice %arg10[%mul3A_51, %dma_start3A_55] : memref<768x128xf32, #tpu.memory_space<vmem>> -> memref<20x128xf32, #tpu.memory_space<vmem>>
      %dma_start3A_57 = arith.constant 0 : i32
      %dma_start3A_58 = tpu.memref_slice %arg4[%dma_start3A_57, %multiple_of3A] : memref<20x1000000xf32, #tpu.memory_space<hbm>> -> memref<20x128xf32, #tpu.memory_space<hbm>>
      tpu.enqueue_dma source(%dma_start3A_58 : memref<20x128xf32, #tpu.memory_space<hbm>>) target(%dma_start3A_56 : memref<20x128xf32, #tpu.memory_space<vmem>>) target_semaphore(%arg13 : memref<!tpu.dma_semaphore, #tpu.memory_space<semaphore_mem>>)
      %slice3A_59 = vector.extract_strided_slice %and3A_45 {offsets = [1], sizes = [1], strides = [1]} : vector<16xi32> to vector<1xi32>
      %squeeze3A_60 = vector.extract %slice3A_59[0] : i32 from vector<1xi32>
      %multiple_of3A_61 = tpu.assume_multiple %squeeze3A_60, 128 : i32
      %mul3A_62 = arith.constant 16 : i32
      %mul3A_63 = arith.muli %add3A_40, %mul3A_62 : i32
      %add3A_64 = arith.constant 1 : i32
      %add3A_65 = arith.addi %mul3A_63, %add3A_64 : i32
      %mul3A_66 = arith.constant 24 : i32
      %mul3A_67 = arith.muli %add3A_65, %mul3A_66 : i32
      %dma_start3A_68 = arith.constant 0 : i32
      %dma_start3A_69 = tpu.memref_slice %arg10[%mul3A_67, %dma_start3A_68] : memref<768x128xf32, #tpu.memory_space<vmem>> -> memref<20x128xf32, #tpu.memory_space<vmem>>
      %dma_start3A_70 = arith.constant 0 : i32
      %dma_start3A_71 = tpu.memref_slice %arg4[%dma_start3A_70, %multiple_of3A_61] : memref<20x1000000xf32, #tpu.memory_space<hbm>> -> memref<20x128xf32, #tpu.memory_space<hbm>>
      %dma_start3A_72 = arith.constant 0 : i32
      %dma_start3A_73 = tpu.memref_slice %arg10[%mul3A_67, %dma_start3A_72] : memref<768x128xf32, #tpu.memory_space<vmem>> -> memref<20x128xf32, #tpu.memory_space<vmem>>
      %dma_start3A_74 = arith.constant 0 : i32
      %dma_start3A_75 = tpu.memref_slice %arg4[%dma_start3A_74, %multiple_of3A_61] : memref<20x1000000xf32, #tpu.memory_space<hbm>> -> memref<20x128xf32, #tpu.memory_space<hbm>>
      tpu.enqueue_dma source(%dma_start3A_75 : memref<20x128xf32, #tpu.memory_space<hbm>>) target(%dma_start3A_73 : memref<20x128xf32, #tpu.memory_space<vmem>>) target_semaphore(%arg13 : memref<!tpu.dma_semaphore, #tpu.memory_space<semaphore_mem>>)
      %slice3A_76 = vector.extract_strided_slice %and3A_45 {offsets = [2], sizes = [1], strides = [1]} : vector<16xi32> to vector<1xi32>
      %squeeze3A_77 = vector.extract %slice3A_76[0] : i32 from vector<1xi32>
      %multiple_of3A_78 = tpu.assume_multiple %squeeze3A_77, 128 : i32
      %mul3A_79 = arith.constant 16 : i32
      %mul3A_80 = arith.muli %add3A_40, %mul3A_79 : i32
      %add3A_81 = arith.constant 2 : i32
      %add3A_82 = arith.addi %mul3A_80, %add3A_81 : i32
      %mul3A_83 = arith.constant 24 : i32
      %mul3A_84 = arith.muli %add3A_82, %mul3A_83 : i32
      %dma_start3A_85 = arith.constant 0 : i32
      %dma_start3A_86 = tpu.memref_slice %arg10[%mul3A_84, %dma_start3A_85] : memref<768x128xf32, #tpu.memory_space<vmem>> -> memref<20x128xf32, #tpu.memory_space<vmem>>
      %dma_start3A_87 = arith.constant 0 : i32
      %dma_start3A_88 = tpu.memref_slice %arg4[%dma_start3A_87, %multiple_of3A_78] : memref<20x1000000xf32, #tpu.memory_space<hbm>> -> memref<20x128xf32, #tpu.memory_space<hbm>>
      %dma_start3A_89 = arith.constant 0 : i32
      %dma_start3A_90 = tpu.memref_slice %arg10[%mul3A_84, %dma_start3A_89] : memref<768x128xf32, #tpu.memory_space<vmem>> -> memref<20x128xf32, #tpu.memory_space<vmem>>
      %dma_start3A_91 = arith.constant 0 : i32
      %dma_start3A_92 = tpu.memref_slice %arg4[%dma_start3A_91, %multiple_of3A_78] : memref<20x1000000xf32, #tpu.memory_space<hbm>> -> memref<20x128xf32, #tpu.memory_space<hbm>>
      tpu.enqueue_dma source(%dma_start3A_92 : memref<20x128xf32, #tpu.memory_space<hbm>>) target(%dma_start3A_90 : memref<20x128xf32, #tpu.memory_space<vmem>>) target_semaphore(%arg13 : memref<!tpu.dma_semaphore, #tpu.memory_space<semaphore_mem>>)
      %slice3A_93 = vector.extract_strided_slice %and3A_45 {offsets = [3], sizes = [1], strides = [1]} : vector<16xi32> to vector<1xi32>
      %squeeze3A_94 = vector.extract %slice3A_93[0] : i32 from vector<1xi32>
      %multiple_of3A_95 = tpu.assume_multiple %squeeze3A_94, 128 : i32
      %mul3A_96 = arith.constant 16 : i32
      %mul3A_97 = arith.muli %add3A_40, %mul3A_96 : i32
      %add3A_98 = arith.constant 3 : i32
      %add3A_99 = arith.addi %mul3A_97, %add3A_98 : i32
      %mul3A_100 = arith.constant 24 : i32
      %mul3A_101 = arith.muli %add3A_99, %mul3A_100 : i32
      %dma_start3A_102 = arith.constant 0 : i32
      %dma_start3A_103 = tpu.memref_slice %arg10[%mul3A_101, %dma_start3A_102] : memref<768x128xf32, #tpu.memory_space<vmem>> -> memref<20x128xf32, #tpu.memory_space<vmem>>
      %dma_start3A_104 = arith.constant 0 : i32
      %dma_start3A_105 = tpu.memref_slice %arg4[%dma_start3A_104, %multiple_of3A_95] : memref<20x1000000xf32, #tpu.memory_space<hbm>> -> memref<20x128xf32, #tpu.memory_space<hbm>>
      %dma_start3A_106 = arith.constant 0 : i32
      %dma_start3A_107 = tpu.memref_slice %arg10[%mul3A_101, %dma_start3A_106] : memref<768x128xf32, #tpu.memory_space<vmem>> -> memref<20x128xf32, #tpu.memory_space<vmem>>
      %dma_start3A_108 = arith.constant 0 : i32
      %dma_start3A_109 = tpu.memref_slice %arg4[%dma_start3A_108, %multiple_of3A_95] : memref<20x1000000xf32, #tpu.memory_space<hbm>> -> memref<20x128xf32, #tpu.memory_space<hbm>>
      tpu.enqueue_dma source(%dma_start3A_109 : memref<20x128xf32, #tpu.memory_space<hbm>>) target(%dma_start3A_107 : memref<20x128xf32, #tpu.memory_space<vmem>>) target_semaphore(%arg13 : memref<!tpu.dma_semaphore, #tpu.memory_space<semaphore_mem>>)
      %slice3A_110 = vector.extract_strided_slice %and3A_45 {offsets = [4], sizes = [1], strides = [1]} : vector<16xi32> to vector<1xi32>
      %squeeze3A_111 = vector.extract %slice3A_110[0] : i32 from vector<1xi32>
      %multiple_of3A_112 = tpu.assume_multiple %squeeze3A_111, 128 : i32
      %mul3A_113 = arith.constant 16 : i32
      %mul3A_114 = arith.muli %add3A_40, %mul3A_113 : i32
      %add3A_115 = arith.constant 4 : i32
      %add3A_116 = arith.addi %mul3A_114, %add3A_115 : i32
      %mul3A_117 = arith.constant 24 : i32
      %mul3A_118 = arith.muli %add3A_116, %mul3A_117 : i32
      %dma_start3A_119 = arith.constant 0 : i32
      %dma_start3A_120 = tpu.memref_slice %arg10[%mul3A_118, %dma_start3A_119] : memref<768x128xf32, #tpu.memory_space<vmem>> -> memref<20x128xf32, #tpu.memory_space<vmem>>
      %dma_start3A_121 = arith.constant 0 : i32
      %dma_start3A_122 = tpu.memref_slice %arg4[%dma_start3A_121, %multiple_of3A_112] : memref<20x1000000xf32, #tpu.memory_space<hbm>> -> memref<20x128xf32, #tpu.memory_space<hbm>>
      %dma_start3A_123 = arith.constant 0 : i32
      %dma_start3A_124 = tpu.memref_slice %arg10[%mul3A_118, %dma_start3A_123] : memref<768x128xf32, #tpu.memory_space<vmem>> -> memref<20x128xf32, #tpu.memory_space<vmem>>
      %dma_start3A_125 = arith.constant 0 : i32
      %dma_start3A_126 = tpu.memref_slice %arg4[%dma_start3A_125, %multiple_of3A_112] : memref<20x1000000xf32, #tpu.memory_space<hbm>> -> memref<20x128xf32, #tpu.memory_space<hbm>>
      tpu.enqueue_dma source(%dma_start3A_126 : memref<20x128xf32, #tpu.memory_space<hbm>>) target(%dma_start3A_124 : memref<20x128xf32, #tpu.memory_space<vmem>>) target_semaphore(%arg13 : memref<!tpu.dma_semaphore, #tpu.memory_space<semaphore_mem>>)
      %slice3A_127 = vector.extract_strided_slice %and3A_45 {offsets = [5], sizes = [1], strides = [1]} : vector<16xi32> to vector<1xi32>
      %squeeze3A_128 = vector.extract %slice3A_127[0] : i32 from vector<1xi32>
      %multiple_of3A_129 = tpu.assume_multiple %squeeze3A_128, 128 : i32
      %mul3A_130 = arith.constant 16 : i32
      %mul3A_131 = arith.muli %add3A_40, %mul3A_130 : i32
      %add3A_132 = arith.constant 5 : i32
      %add3A_133 = arith.addi %mul3A_131, %add3A_132 : i32
      %mul3A_134 = arith.constant 24 : i32
      %mul3A_135 = arith.muli %add3A_133, %mul3A_134 : i32
      %dma_start3A_136 = arith.constant 0 : i32
      %dma_start3A_137 = tpu.memref_slice %arg10[%mul3A_135, %dma_start3A_136] : memref<768x128xf32, #tpu.memory_space<vmem>> -> memref<20x128xf32, #tpu.memory_space<vmem>>
      %dma_start3A_138 = arith.constant 0 : i32
      %dma_start3A_139 = tpu.memref_slice %arg4[%dma_start3A_138, %multiple_of3A_129] : memref<20x1000000xf32, #tpu.memory_space<hbm>> -> memref<20x128xf32, #tpu.memory_space<hbm>>
      %dma_start3A_140 = arith.constant 0 : i32
      %dma_start3A_141 = tpu.memref_slice %arg10[%mul3A_135, %dma_start3A_140] : memref<768x128xf32, #tpu.memory_space<vmem>> -> memref<20x128xf32, #tpu.memory_space<vmem>>
      %dma_start3A_142 = arith.constant 0 : i32
      %dma_start3A_143 = tpu.memref_slice %arg4[%dma_start3A_142, %multiple_of3A_129] : memref<20x1000000xf32, #tpu.memory_space<hbm>> -> memref<20x128xf32, #tpu.memory_space<hbm>>
      tpu.enqueue_dma source(%dma_start3A_143 : memref<20x128xf32, #tpu.memory_space<hbm>>) target(%dma_start3A_141 : memref<20x128xf32, #tpu.memory_space<vmem>>) target_semaphore(%arg13 : memref<!tpu.dma_semaphore, #tpu.memory_space<semaphore_mem>>)
      %slice3A_144 = vector.extract_strided_slice %and3A_45 {offsets = [6], sizes = [1], strides = [1]} : vector<16xi32> to vector<1xi32>
      %squeeze3A_145 = vector.extract %slice3A_144[0] : i32 from vector<1xi32>
      %multiple_of3A_146 = tpu.assume_multiple %squeeze3A_145, 128 : i32
      %mul3A_147 = arith.constant 16 : i32
      %mul3A_148 = arith.muli %add3A_40, %mul3A_147 : i32
      %add3A_149 = arith.constant 6 : i32
      %add3A_150 = arith.addi %mul3A_148, %add3A_149 : i32
      %mul3A_151 = arith.constant 24 : i32
      %mul3A_152 = arith.muli %add3A_150, %mul3A_151 : i32
      %dma_start3A_153 = arith.constant 0 : i32
      %dma_start3A_154 = tpu.memref_slice %arg10[%mul3A_152, %dma_start3A_153] : memref<768x128xf32, #tpu.memory_space<vmem>> -> memref<20x128xf32, #tpu.memory_space<vmem>>
      %dma_start3A_155 = arith.constant 0 : i32
      %dma_start3A_156 = tpu.memref_slice %arg4[%dma_start3A_155, %multiple_of3A_146] : memref<20x1000000xf32, #tpu.memory_space<hbm>> -> memref<20x128xf32, #tpu.memory_space<hbm>>
      %dma_start3A_157 = arith.constant 0 : i32
      %dma_start3A_158 = tpu.memref_slice %arg10[%mul3A_152, %dma_start3A_157] : memref<768x128xf32, #tpu.memory_space<vmem>> -> memref<20x128xf32, #tpu.memory_space<vmem>>
      %dma_start3A_159 = arith.constant 0 : i32
      %dma_start3A_160 = tpu.memref_slice %arg4[%dma_start3A_159, %multiple_of3A_146] : memref<20x1000000xf32, #tpu.memory_space<hbm>> -> memref<20x128xf32, #tpu.memory_space<hbm>>
      tpu.enqueue_dma source(%dma_start3A_160 : memref<20x128xf32, #tpu.memory_space<hbm>>) target(%dma_start3A_158 : memref<20x128xf32, #tpu.memory_space<vmem>>) target_semaphore(%arg13 : memref<!tpu.dma_semaphore, #tpu.memory_space<semaphore_mem>>)
      %slice3A_161 = vector.extract_strided_slice %and3A_45 {offsets = [7], sizes = [1], strides = [1]} : vector<16xi32> to vector<1xi32>
      %squeeze3A_162 = vector.extract %slice3A_161[0] : i32 from vector<1xi32>
      %multiple_of3A_163 = tpu.assume_multiple %squeeze3A_162, 128 : i32
      %mul3A_164 = arith.constant 16 : i32
      %mul3A_165 = arith.muli %add3A_40, %mul3A_164 : i32
      %add3A_166 = arith.constant 7 : i32
      %add3A_167 = arith.addi %mul3A_165, %add3A_166 : i32
      %mul3A_168 = arith.constant 24 : i32
      %mul3A_169 = arith.muli %add3A_167, %mul3A_168 : i32
      %dma_start3A_170 = arith.constant 0 : i32
      %dma_start3A_171 = tpu.memref_slice %arg10[%mul3A_169, %dma_start3A_170] : memref<768x128xf32, #tpu.memory_space<vmem>> -> memref<20x128xf32, #tpu.memory_space<vmem>>
      %dma_start3A_172 = arith.constant 0 : i32
      %dma_start3A_173 = tpu.memref_slice %arg4[%dma_start3A_172, %multiple_of3A_163] : memref<20x1000000xf32, #tpu.memory_space<hbm>> -> memref<20x128xf32, #tpu.memory_space<hbm>>
      %dma_start3A_174 = arith.constant 0 : i32
      %dma_start3A_175 = tpu.memref_slice %arg10[%mul3A_169, %dma_start3A_174] : memref<768x128xf32, #tpu.memory_space<vmem>> -> memref<20x128xf32, #tpu.memory_space<vmem>>
      %dma_start3A_176 = arith.constant 0 : i32
      %dma_start3A_177 = tpu.memref_slice %arg4[%dma_start3A_176, %multiple_of3A_163] : memref<20x1000000xf32, #tpu.memory_space<hbm>> -> memref<20x128xf32, #tpu.memory_space<hbm>>
      tpu.enqueue_dma source(%dma_start3A_177 : memref<20x128xf32, #tpu.memory_space<hbm>>) target(%dma_start3A_175 : memref<20x128xf32, #tpu.memory_space<vmem>>) target_semaphore(%arg13 : memref<!tpu.dma_semaphore, #tpu.memory_space<semaphore_mem>>)
      %slice3A_178 = vector.extract_strided_slice %and3A_45 {offsets = [8], sizes = [1], strides = [1]} : vector<16xi32> to vector<1xi32>
      %squeeze3A_179 = vector.extract %slice3A_178[0] : i32 from vector<1xi32>
      %multiple_of3A_180 = tpu.assume_multiple %squeeze3A_179, 128 : i32
      %mul3A_181 = arith.constant 16 : i32
      %mul3A_182 = arith.muli %add3A_40, %mul3A_181 : i32
      %add3A_183 = arith.constant 8 : i32
      %add3A_184 = arith.addi %mul3A_182, %add3A_183 : i32
      %mul3A_185 = arith.constant 24 : i32
      %mul3A_186 = arith.muli %add3A_184, %mul3A_185 : i32
      %dma_start3A_187 = arith.constant 0 : i32
      %dma_start3A_188 = tpu.memref_slice %arg10[%mul3A_186, %dma_start3A_187] : memref<768x128xf32, #tpu.memory_space<vmem>> -> memref<20x128xf32, #tpu.memory_space<vmem>>
      %dma_start3A_189 = arith.constant 0 : i32
      %dma_start3A_190 = tpu.memref_slice %arg4[%dma_start3A_189, %multiple_of3A_180] : memref<20x1000000xf32, #tpu.memory_space<hbm>> -> memref<20x128xf32, #tpu.memory_space<hbm>>
      %dma_start3A_191 = arith.constant 0 : i32
      %dma_start3A_192 = tpu.memref_slice %arg10[%mul3A_186, %dma_start3A_191] : memref<768x128xf32, #tpu.memory_space<vmem>> -> memref<20x128xf32, #tpu.memory_space<vmem>>
      %dma_start3A_193 = arith.constant 0 : i32
      %dma_start3A_194 = tpu.memref_slice %arg4[%dma_start3A_193, %multiple_of3A_180] : memref<20x1000000xf32, #tpu.memory_space<hbm>> -> memref<20x128xf32, #tpu.memory_space<hbm>>
      tpu.enqueue_dma source(%dma_start3A_194 : memref<20x128xf32, #tpu.memory_space<hbm>>) target(%dma_start3A_192 : memref<20x128xf32, #tpu.memory_space<vmem>>) target_semaphore(%arg13 : memref<!tpu.dma_semaphore, #tpu.memory_space<semaphore_mem>>)
      %slice3A_195 = vector.extract_strided_slice %and3A_45 {offsets = [9], sizes = [1], strides = [1]} : vector<16xi32> to vector<1xi32>
      %squeeze3A_196 = vector.extract %slice3A_195[0] : i32 from vector<1xi32>
      %multiple_of3A_197 = tpu.assume_multiple %squeeze3A_196, 128 : i32
      %mul3A_198 = arith.constant 16 : i32
      %mul3A_199 = arith.muli %add3A_40, %mul3A_198 : i32
      %add3A_200 = arith.constant 9 : i32
      %add3A_201 = arith.addi %mul3A_199, %add3A_200 : i32
      %mul3A_202 = arith.constant 24 : i32
      %mul3A_203 = arith.muli %add3A_201, %mul3A_202 : i32
      %dma_start3A_204 = arith.constant 0 : i32
      %dma_start3A_205 = tpu.memref_slice %arg10[%mul3A_203, %dma_start3A_204] : memref<768x128xf32, #tpu.memory_space<vmem>> -> memref<20x128xf32, #tpu.memory_space<vmem>>
      %dma_start3A_206 = arith.constant 0 : i32
      %dma_start3A_207 = tpu.memref_slice %arg4[%dma_start3A_206, %multiple_of3A_197] : memref<20x1000000xf32, #tpu.memory_space<hbm>> -> memref<20x128xf32, #tpu.memory_space<hbm>>
      %dma_start3A_208 = arith.constant 0 : i32
      %dma_start3A_209 = tpu.memref_slice %arg10[%mul3A_203, %dma_start3A_208] : memref<768x128xf32, #tpu.memory_space<vmem>> -> memref<20x128xf32, #tpu.memory_space<vmem>>
      %dma_start3A_210 = arith.constant 0 : i32
      %dma_start3A_211 = tpu.memref_slice %arg4[%dma_start3A_210, %multiple_of3A_197] : memref<20x1000000xf32, #tpu.memory_space<hbm>> -> memref<20x128xf32, #tpu.memory_space<hbm>>
      tpu.enqueue_dma source(%dma_start3A_211 : memref<20x128xf32, #tpu.memory_space<hbm>>) target(%dma_start3A_209 : memref<20x128xf32, #tpu.memory_space<vmem>>) target_semaphore(%arg13 : memref<!tpu.dma_semaphore, #tpu.memory_space<semaphore_mem>>)
      %slice3A_212 = vector.extract_strided_slice %and3A_45 {offsets = [10], sizes = [1], strides = [1]} : vector<16xi32> to vector<1xi32>
      %squeeze3A_213 = vector.extract %slice3A_212[0] : i32 from vector<1xi32>
      %multiple_of3A_214 = tpu.assume_multiple %squeeze3A_213, 128 : i32
      %mul3A_215 = arith.constant 16 : i32
      %mul3A_216 = arith.muli %add3A_40, %mul3A_215 : i32
      %add3A_217 = arith.constant 10 : i32
      %add3A_218 = arith.addi %mul3A_216, %add3A_217 : i32
      %mul3A_219 = arith.constant 24 : i32
      %mul3A_220 = arith.muli %add3A_218, %mul3A_219 : i32
      %dma_start3A_221 = arith.constant 0 : i32
      %dma_start3A_222 = tpu.memref_slice %arg10[%mul3A_220, %dma_start3A_221] : memref<768x128xf32, #tpu.memory_space<vmem>> -> memref<20x128xf32, #tpu.memory_space<vmem>>
      %dma_start3A_223 = arith.constant 0 : i32
      %dma_start3A_224 = tpu.memref_slice %arg4[%dma_start3A_223, %multiple_of3A_214] : memref<20x1000000xf32, #tpu.memory_space<hbm>> -> memref<20x128xf32, #tpu.memory_space<hbm>>
      %dma_start3A_225 = arith.constant 0 : i32
      %dma_start3A_226 = tpu.memref_slice %arg10[%mul3A_220, %dma_start3A_225] : memref<768x128xf32, #tpu.memory_space<vmem>> -> memref<20x128xf32, #tpu.memory_space<vmem>>
      %dma_start3A_227 = arith.constant 0 : i32
      %dma_start3A_228 = tpu.memref_slice %arg4[%dma_start3A_227, %multiple_of3A_214] : memref<20x1000000xf32, #tpu.memory_space<hbm>> -> memref<20x128xf32, #tpu.memory_space<hbm>>
      tpu.enqueue_dma source(%dma_start3A_228 : memref<20x128xf32, #tpu.memory_space<hbm>>) target(%dma_start3A_226 : memref<20x128xf32, #tpu.memory_space<vmem>>) target_semaphore(%arg13 : memref<!tpu.dma_semaphore, #tpu.memory_space<semaphore_mem>>)
      %slice3A_229 = vector.extract_strided_slice %and3A_45 {offsets = [11], sizes = [1], strides = [1]} : vector<16xi32> to vector<1xi32>
      %squeeze3A_230 = vector.extract %slice3A_229[0] : i32 from vector<1xi32>
      %multiple_of3A_231 = tpu.assume_multiple %squeeze3A_230, 128 : i32
      %mul3A_232 = arith.constant 16 : i32
      %mul3A_233 = arith.muli %add3A_40, %mul3A_232 : i32
      %add3A_234 = arith.constant 11 : i32
      %add3A_235 = arith.addi %mul3A_233, %add3A_234 : i32
      %mul3A_236 = arith.constant 24 : i32
      %mul3A_237 = arith.muli %add3A_235, %mul3A_236 : i32
      %dma_start3A_238 = arith.constant 0 : i32
      %dma_start3A_239 = tpu.memref_slice %arg10[%mul3A_237, %dma_start3A_238] : memref<768x128xf32, #tpu.memory_space<vmem>> -> memref<20x128xf32, #tpu.memory_space<vmem>>
      %dma_start3A_240 = arith.constant 0 : i32
      %dma_start3A_241 = tpu.memref_slice %arg4[%dma_start3A_240, %multiple_of3A_231] : memref<20x1000000xf32, #tpu.memory_space<hbm>> -> memref<20x128xf32, #tpu.memory_space<hbm>>
      %dma_start3A_242 = arith.constant 0 : i32
      %dma_start3A_243 = tpu.memref_slice %arg10[%mul3A_237, %dma_start3A_242] : memref<768x128xf32, #tpu.memory_space<vmem>> -> memref<20x128xf32, #tpu.memory_space<vmem>>
      %dma_start3A_244 = arith.constant 0 : i32
      %dma_start3A_245 = tpu.memref_slice %arg4[%dma_start3A_244, %multiple_of3A_231] : memref<20x1000000xf32, #tpu.memory_space<hbm>> -> memref<20x128xf32, #tpu.memory_space<hbm>>
      tpu.enqueue_dma source(%dma_start3A_245 : memref<20x128xf32, #tpu.memory_space<hbm>>) target(%dma_start3A_243 : memref<20x128xf32, #tpu.memory_space<vmem>>) target_semaphore(%arg13 : memref<!tpu.dma_semaphore, #tpu.memory_space<semaphore_mem>>)
      %slice3A_246 = vector.extract_strided_slice %and3A_45 {offsets = [12], sizes = [1], strides = [1]} : vector<16xi32> to vector<1xi32>
      %squeeze3A_247 = vector.extract %slice3A_246[0] : i32 from vector<1xi32>
      %multiple_of3A_248 = tpu.assume_multiple %squeeze3A_247, 128 : i32
      %mul3A_249 = arith.constant 16 : i32
      %mul3A_250 = arith.muli %add3A_40, %mul3A_249 : i32
      %add3A_251 = arith.constant 12 : i32
      %add3A_252 = arith.addi %mul3A_250, %add3A_251 : i32
      %mul3A_253 = arith.constant 24 : i32
      %mul3A_254 = arith.muli %add3A_252, %mul3A_253 : i32
      %dma_start3A_255 = arith.constant 0 : i32
      %dma_start3A_256 = tpu.memref_slice %arg10[%mul3A_254, %dma_start3A_255] : memref<768x128xf32, #tpu.memory_space<vmem>> -> memref<20x128xf32, #tpu.memory_space<vmem>>
      %dma_start3A_257 = arith.constant 0 : i32
      %dma_start3A_258 = tpu.memref_slice %arg4[%dma_start3A_257, %multiple_of3A_248] : memref<20x1000000xf32, #tpu.memory_space<hbm>> -> memref<20x128xf32, #tpu.memory_space<hbm>>
      %dma_start3A_259 = arith.constant 0 : i32
      %dma_start3A_260 = tpu.memref_slice %arg10[%mul3A_254, %dma_start3A_259] : memref<768x128xf32, #tpu.memory_space<vmem>> -> memref<20x128xf32, #tpu.memory_space<vmem>>
      %dma_start3A_261 = arith.constant 0 : i32
      %dma_start3A_262 = tpu.memref_slice %arg4[%dma_start3A_261, %multiple_of3A_248] : memref<20x1000000xf32, #tpu.memory_space<hbm>> -> memref<20x128xf32, #tpu.memory_space<hbm>>
      tpu.enqueue_dma source(%dma_start3A_262 : memref<20x128xf32, #tpu.memory_space<hbm>>) target(%dma_start3A_260 : memref<20x128xf32, #tpu.memory_space<vmem>>) target_semaphore(%arg13 : memref<!tpu.dma_semaphore, #tpu.memory_space<semaphore_mem>>)
      %slice3A_263 = vector.extract_strided_slice %and3A_45 {offsets = [13], sizes = [1], strides = [1]} : vector<16xi32> to vector<1xi32>
      %squeeze3A_264 = vector.extract %slice3A_263[0] : i32 from vector<1xi32>
      %multiple_of3A_265 = tpu.assume_multiple %squeeze3A_264, 128 : i32
      %mul3A_266 = arith.constant 16 : i32
      %mul3A_267 = arith.muli %add3A_40, %mul3A_266 : i32
      %add3A_268 = arith.constant 13 : i32
      %add3A_269 = arith.addi %mul3A_267, %add3A_268 : i32
      %mul3A_270 = arith.constant 24 : i32
      %mul3A_271 = arith.muli %add3A_269, %mul3A_270 : i32
      %dma_start3A_272 = arith.constant 0 : i32
      %dma_start3A_273 = tpu.memref_slice %arg10[%mul3A_271, %dma_start3A_272] : memref<768x128xf32, #tpu.memory_space<vmem>> -> memref<20x128xf32, #tpu.memory_space<vmem>>
      %dma_start3A_274 = arith.constant 0 : i32
      %dma_start3A_275 = tpu.memref_slice %arg4[%dma_start3A_274, %multiple_of3A_265] : memref<20x1000000xf32, #tpu.memory_space<hbm>> -> memref<20x128xf32, #tpu.memory_space<hbm>>
      %dma_start3A_276 = arith.constant 0 : i32
      %dma_start3A_277 = tpu.memref_slice %arg10[%mul3A_271, %dma_start3A_276] : memref<768x128xf32, #tpu.memory_space<vmem>> -> memref<20x128xf32, #tpu.memory_space<vmem>>
      %dma_start3A_278 = arith.constant 0 : i32
      %dma_start3A_279 = tpu.memref_slice %arg4[%dma_start3A_278, %multiple_of3A_265] : memref<20x1000000xf32, #tpu.memory_space<hbm>> -> memref<20x128xf32, #tpu.memory_space<hbm>>
      tpu.enqueue_dma source(%dma_start3A_279 : memref<20x128xf32, #tpu.memory_space<hbm>>) target(%dma_start3A_277 : memref<20x128xf32, #tpu.memory_space<vmem>>) target_semaphore(%arg13 : memref<!tpu.dma_semaphore, #tpu.memory_space<semaphore_mem>>)
      %slice3A_280 = vector.extract_strided_slice %and3A_45 {offsets = [14], sizes = [1], strides = [1]} : vector<16xi32> to vector<1xi32>
      %squeeze3A_281 = vector.extract %slice3A_280[0] : i32 from vector<1xi32>
      %multiple_of3A_282 = tpu.assume_multiple %squeeze3A_281, 128 : i32
      %mul3A_283 = arith.constant 16 : i32
      %mul3A_284 = arith.muli %add3A_40, %mul3A_283 : i32
      %add3A_285 = arith.constant 14 : i32
      %add3A_286 = arith.addi %mul3A_284, %add3A_285 : i32
      %mul3A_287 = arith.constant 24 : i32
      %mul3A_288 = arith.muli %add3A_286, %mul3A_287 : i32
      %dma_start3A_289 = arith.constant 0 : i32
      %dma_start3A_290 = tpu.memref_slice %arg10[%mul3A_288, %dma_start3A_289] : memref<768x128xf32, #tpu.memory_space<vmem>> -> memref<20x128xf32, #tpu.memory_space<vmem>>
      %dma_start3A_291 = arith.constant 0 : i32
      %dma_start3A_292 = tpu.memref_slice %arg4[%dma_start3A_291, %multiple_of3A_282] : memref<20x1000000xf32, #tpu.memory_space<hbm>> -> memref<20x128xf32, #tpu.memory_space<hbm>>
      %dma_start3A_293 = arith.constant 0 : i32
      %dma_start3A_294 = tpu.memref_slice %arg10[%mul3A_288, %dma_start3A_293] : memref<768x128xf32, #tpu.memory_space<vmem>> -> memref<20x128xf32, #tpu.memory_space<vmem>>
      %dma_start3A_295 = arith.constant 0 : i32
      %dma_start3A_296 = tpu.memref_slice %arg4[%dma_start3A_295, %multiple_of3A_282] : memref<20x1000000xf32, #tpu.memory_space<hbm>> -> memref<20x128xf32, #tpu.memory_space<hbm>>
      tpu.enqueue_dma source(%dma_start3A_296 : memref<20x128xf32, #tpu.memory_space<hbm>>) target(%dma_start3A_294 : memref<20x128xf32, #tpu.memory_space<vmem>>) target_semaphore(%arg13 : memref<!tpu.dma_semaphore, #tpu.memory_space<semaphore_mem>>)
      %slice3A_297 = vector.extract_strided_slice %and3A_45 {offsets = [15], sizes = [1], strides = [1]} : vector<16xi32> to vector<1xi32>
      %squeeze3A_298 = vector.extract %slice3A_297[0] : i32 from vector<1xi32>
      %multiple_of3A_299 = tpu.assume_multiple %squeeze3A_298, 128 : i32
      %mul3A_300 = arith.constant 16 : i32
      %mul3A_301 = arith.muli %add3A_40, %mul3A_300 : i32
      %add3A_302 = arith.constant 15 : i32
      %add3A_303 = arith.addi %mul3A_301, %add3A_302 : i32
      %mul3A_304 = arith.constant 24 : i32
      %mul3A_305 = arith.muli %add3A_303, %mul3A_304 : i32
      %dma_start3A_306 = arith.constant 0 : i32
      %dma_start3A_307 = tpu.memref_slice %arg10[%mul3A_305, %dma_start3A_306] : memref<768x128xf32, #tpu.memory_space<vmem>> -> memref<20x128xf32, #tpu.memory_space<vmem>>
      %dma_start3A_308 = arith.constant 0 : i32
      %dma_start3A_309 = tpu.memref_slice %arg4[%dma_start3A_308, %multiple_of3A_299] : memref<20x1000000xf32, #tpu.memory_space<hbm>> -> memref<20x128xf32, #tpu.memory_space<hbm>>
      %dma_start3A_310 = arith.constant 0 : i32
      %dma_start3A_311 = tpu.memref_slice %arg10[%mul3A_305, %dma_start3A_310] : memref<768x128xf32, #tpu.memory_space<vmem>> -> memref<20x128xf32, #tpu.memory_space<vmem>>
      %dma_start3A_312 = arith.constant 0 : i32
      %dma_start3A_313 = tpu.memref_slice %arg4[%dma_start3A_312, %multiple_of3A_299] : memref<20x1000000xf32, #tpu.memory_space<hbm>> -> memref<20x128xf32, #tpu.memory_space<hbm>>
      tpu.enqueue_dma source(%dma_start3A_313 : memref<20x128xf32, #tpu.memory_space<hbm>>) target(%dma_start3A_311 : memref<20x128xf32, #tpu.memory_space<vmem>>) target_semaphore(%arg13 : memref<!tpu.dma_semaphore, #tpu.memory_space<semaphore_mem>>)
    }
    %scan3A_10 = arith.constant 2 : i32
    %scan3A_11 = arith.constant 0 : i32
    %scan3A_12 = arith.constant 32 : i32
    %scan3A_13 = arith.addi %scan3A_11, %scan3A_12 : i32
    %scan3A_14 = arith.constant 1 : i32
    scf.for %scan3A_36 = %scan3A_11 to %scan3A_13 step %scan3A_14  : i32 {
      %mul3A_37 = arith.constant 1 : i32
      %mul3A_38 = arith.muli %scan3A_36, %mul3A_37 : i32
      %add3A_39 = arith.constant 0 : i32
      %add3A_40 = arith.addi %add3A_39, %mul3A_38 : i32
      %dma_wait3A = arith.constant 0 : i32
      %dma_wait3A_41 = arith.constant 0 : i32
      %dma_wait3A_42 = tpu.memref_slice %arg10[%dma_wait3A, %dma_wait3A_41] : memref<768x128xf32, #tpu.memory_space<vmem>> -> memref<20x128xf32, #tpu.memory_space<vmem>>
      %dma_wait3A_43 = arith.constant 0 : i32
      %dma_wait3A_44 = arith.constant 0 : i32
      %dma_wait3A_45 = tpu.memref_slice %arg4[%dma_wait3A_43, %dma_wait3A_44] : memref<20x1000000xf32, #tpu.memory_space<hbm>> -> memref<20x128xf32, #tpu.memory_space<hbm>>
      %dma_wait3A_46 = arith.constant 0 : i32
      %dma_wait3A_47 = arith.constant 0 : i32
      %dma_wait3A_48 = tpu.memref_slice %arg10[%dma_wait3A_46, %dma_wait3A_47] : memref<768x128xf32, #tpu.memory_space<vmem>> -> memref<20x128xf32, #tpu.memory_space<vmem>>
      %dma_wait3A_49 = arith.constant 0 : i32
      %dma_wait3A_50 = arith.constant 0 : i32
      %dma_wait3A_51 = tpu.memref_slice %arg4[%dma_wait3A_49, %dma_wait3A_50] : memref<20x1000000xf32, #tpu.memory_space<hbm>> -> memref<20x128xf32, #tpu.memory_space<hbm>>
      tpu.wait_dma2 semaphore(%arg13 : memref<!tpu.dma_semaphore, #tpu.memory_space<semaphore_mem>>) src(%dma_wait3A_51 : memref<20x128xf32, #tpu.memory_space<hbm>>) dst(%dma_wait3A_48 : memref<20x128xf32, #tpu.memory_space<vmem>>)
    }
    %scan3A_15 = arith.constant 32 : i32
    %scan3A_16 = arith.constant 0 : i32
    %scan3A_17 = arith.constant 2 : i32
    %scan3A_18 = arith.addi %scan3A_16, %scan3A_17 : i32
    %scan3A_19 = arith.constant 1 : i32
    scf.for %scan3A_36 = %scan3A_16 to %scan3A_18 step %scan3A_19  : i32 {
      %mul3A_37 = arith.constant 1 : i32
      %mul3A_38 = arith.muli %scan3A_36, %mul3A_37 : i32
      %add3A_39 = arith.constant 0 : i32
      %add3A_40 = arith.addi %add3A_39, %mul3A_38 : i32
      %mul3A_41 = arith.constant 16 : i32
      %mul3A_42 = arith.muli %add3A_40, %mul3A_41 : i32
      %get3A = arith.index_cast %mul3A_42 : i32 to index
      %get3A_43 = tpu.vector_load %arg8[%get3A] {strides = array<i32>} : memref<32xi32, #tpu.memory_space<vmem>>, vector<16xi32>,
      %and3A = arith.constant 127 : i32
      %and3A_44 = vector.broadcast %and3A : i32 to vector<16xi32>
      %and3A_45 = arith.andi %get3A_43, %and3A_44 : vector<16xi32>
      %mul3A_46 = arith.constant 16 : i32
      %mul3A_47 = arith.muli %add3A_40, %mul3A_46 : i32
      %add3A_48 = vector.broadcast %mul3A_47 : i32 to vector<16xi32>
      %add3A_49 = arith.addi %add3A_48, %iota3A : vector<16xi32>
      %mul3A_50 = arith.constant 16 : i32
      %mul3A_51 = arith.muli %add3A_40, %mul3A_50 : i32
      %mul3A_52 = arith.constant 24 : i32
      %mul3A_53 = arith.muli %mul3A_51, %mul3A_52 : i32
      %add3A_54 = arith.constant 0 : i32
      %add3A_55 = arith.addi %mul3A_53, %add3A_54 : i32
      %add3A_56 = vector.broadcast %add3A_55 : i32 to vector<16xi32>
      %add3A_57 = arith.addi %mul3A_6, %add3A_56 : vector<16xi32>
      %gather3A = tpu.vector_load_idx %arg10[%add3A_57, %and3A_45] : memref<768x128xf32, #tpu.memory_space<vmem>>[vector<16xi32>, vector<16xi32>], vector<16xf32>,
      %broadcast_in_dim3A_58 = arith.constant 0 : i32
      %broadcast_in_dim3A_59 = vector.broadcast %broadcast_in_dim3A_58 : i32 to vector<16xi32>
      tpu.vector_store_idx %arg11[%add3A_49, %broadcast_in_dim3A_59], %gather3A : memref<32x32xf32, #tpu.memory_space<vmem>>[vector<16xi32>, vector<16xi32>], vector<16xf32>,
      %mul3A_60 = arith.constant 16 : i32
      %mul3A_61 = arith.muli %add3A_40, %mul3A_60 : i32
      %mul3A_62 = arith.constant 24 : i32
      %mul3A_63 = arith.muli %mul3A_61, %mul3A_62 : i32
      %add3A_64 = arith.constant 1 : i32
      %add3A_65 = arith.addi %mul3A_63, %add3A_64 : i32
      %add3A_66 = vector.broadcast %add3A_65 : i32 to vector<16xi32>
      %add3A_67 = arith.addi %mul3A_6, %add3A_66 : vector<16xi32>
      %gather3A_68 = tpu.vector_load_idx %arg10[%add3A_67, %and3A_45] : memref<768x128xf32, #tpu.memory_space<vmem>>[vector<16xi32>, vector<16xi32>], vector<16xf32>,
      %broadcast_in_dim3A_69 = arith.constant 1 : i32
      %broadcast_in_dim3A_70 = vector.broadcast %broadcast_in_dim3A_69 : i32 to vector<16xi32>
      tpu.vector_store_idx %arg11[%add3A_49, %broadcast_in_dim3A_70], %gather3A_68 : memref<32x32xf32, #tpu.memory_space<vmem>>[vector<16xi32>, vector<16xi32>], vector<16xf32>,
      %mul3A_71 = arith.constant 16 : i32
      %mul3A_72 = arith.muli %add3A_40, %mul3A_71 : i32
      %mul3A_73 = arith.constant 24 : i32
      %mul3A_74 = arith.muli %mul3A_72, %mul3A_73 : i32
      %add3A_75 = arith.constant 2 : i32
      %add3A_76 = arith.addi %mul3A_74, %add3A_75 : i32
      %add3A_77 = vector.broadcast %add3A_76 : i32 to vector<16xi32>
      %add3A_78 = arith.addi %mul3A_6, %add3A_77 : vector<16xi32>
      %gather3A_79 = tpu.vector_load_idx %arg10[%add3A_78, %and3A_45] : memref<768x128xf32, #tpu.memory_space<vmem>>[vector<16xi32>, vector<16xi32>], vector<16xf32>,
      %broadcast_in_dim3A_80 = arith.constant 2 : i32
      %broadcast_in_dim3A_81 = vector.broadcast %broadcast_in_dim3A_80 : i32 to vector<16xi32>
      tpu.vector_store_idx %arg11[%add3A_49, %broadcast_in_dim3A_81], %gather3A_79 : memref<32x32xf32, #tpu.memory_space<vmem>>[vector<16xi32>, vector<16xi32>], vector<16xf32>,
      %mul3A_82 = arith.constant 16 : i32
      %mul3A_83 = arith.muli %add3A_40, %mul3A_82 : i32
      %mul3A_84 = arith.constant 24 : i32
      %mul3A_85 = arith.muli %mul3A_83, %mul3A_84 : i32
      %add3A_86 = arith.constant 3 : i32
      %add3A_87 = arith.addi %mul3A_85, %add3A_86 : i32
      %add3A_88 = vector.broadcast %add3A_87 : i32 to vector<16xi32>
      %add3A_89 = arith.addi %mul3A_6, %add3A_88 : vector<16xi32>
      %gather3A_90 = tpu.vector_load_idx %arg10[%add3A_89, %and3A_45] : memref<768x128xf32, #tpu.memory_space<vmem>>[vector<16xi32>, vector<16xi32>], vector<16xf32>,
      %broadcast_in_dim3A_91 = arith.constant 3 : i32
      %broadcast_in_dim3A_92 = vector.broadcast %broadcast_in_dim3A_91 : i32 to vector<16xi32>
      tpu.vector_store_idx %arg11[%add3A_49, %broadcast_in_dim3A_92], %gather3A_90 : memref<32x32xf32, #tpu.memory_space<vmem>>[vector<16xi32>, vector<16xi32>], vector<16xf32>,
      %mul3A_93 = arith.constant 16 : i32
      %mul3A_94 = arith.muli %add3A_40, %mul3A_93 : i32
      %mul3A_95 = arith.constant 24 : i32
      %mul3A_96 = arith.muli %mul3A_94, %mul3A_95 : i32
      %add3A_97 = arith.constant 4 : i32
      %add3A_98 = arith.addi %mul3A_96, %add3A_97 : i32
      %add3A_99 = vector.broadcast %add3A_98 : i32 to vector<16xi32>
      %add3A_100 = arith.addi %mul3A_6, %add3A_99 : vector<16xi32>
      %gather3A_101 = tpu.vector_load_idx %arg10[%add3A_100, %and3A_45] : memref<768x128xf32, #tpu.memory_space<vmem>>[vector<16xi32>, vector<16xi32>], vector<16xf32>,
      %broadcast_in_dim3A_102 = arith.constant 4 : i32
      %broadcast_in_dim3A_103 = vector.broadcast %broadcast_in_dim3A_102 : i32 to vector<16xi32>
      tpu.vector_store_idx %arg11[%add3A_49, %broadcast_in_dim3A_103], %gather3A_101 : memref<32x32xf32, #tpu.memory_space<vmem>>[vector<16xi32>, vector<16xi32>], vector<16xf32>,
      %mul3A_104 = arith.constant 16 : i32
      %mul3A_105 = arith.muli %add3A_40, %mul3A_104 : i32
      %mul3A_106 = arith.constant 24 : i32
      %mul3A_107 = arith.muli %mul3A_105, %mul3A_106 : i32
      %add3A_108 = arith.constant 5 : i32
      %add3A_109 = arith.addi %mul3A_107, %add3A_108 : i32
      %add3A_110 = vector.broadcast %add3A_109 : i32 to vector<16xi32>
      %add3A_111 = arith.addi %mul3A_6, %add3A_110 : vector<16xi32>
      %gather3A_112 = tpu.vector_load_idx %arg10[%add3A_111, %and3A_45] : memref<768x128xf32, #tpu.memory_space<vmem>>[vector<16xi32>, vector<16xi32>], vector<16xf32>,
      %broadcast_in_dim3A_113 = arith.constant 5 : i32
      %broadcast_in_dim3A_114 = vector.broadcast %broadcast_in_dim3A_113 : i32 to vector<16xi32>
      tpu.vector_store_idx %arg11[%add3A_49, %broadcast_in_dim3A_114], %gather3A_112 : memref<32x32xf32, #tpu.memory_space<vmem>>[vector<16xi32>, vector<16xi32>], vector<16xf32>,
      %mul3A_115 = arith.constant 16 : i32
      %mul3A_116 = arith.muli %add3A_40, %mul3A_115 : i32
      %mul3A_117 = arith.constant 24 : i32
      %mul3A_118 = arith.muli %mul3A_116, %mul3A_117 : i32
      %add3A_119 = arith.constant 6 : i32
      %add3A_120 = arith.addi %mul3A_118, %add3A_119 : i32
      %add3A_121 = vector.broadcast %add3A_120 : i32 to vector<16xi32>
      %add3A_122 = arith.addi %mul3A_6, %add3A_121 : vector<16xi32>
      %gather3A_123 = tpu.vector_load_idx %arg10[%add3A_122, %and3A_45] : memref<768x128xf32, #tpu.memory_space<vmem>>[vector<16xi32>, vector<16xi32>], vector<16xf32>,
      %broadcast_in_dim3A_124 = arith.constant 6 : i32
      %broadcast_in_dim3A_125 = vector.broadcast %broadcast_in_dim3A_124 : i32 to vector<16xi32>
      tpu.vector_store_idx %arg11[%add3A_49, %broadcast_in_dim3A_125], %gather3A_123 : memref<32x32xf32, #tpu.memory_space<vmem>>[vector<16xi32>, vector<16xi32>], vector<16xf32>,
      %mul3A_126 = arith.constant 16 : i32
      %mul3A_127 = arith.muli %add3A_40, %mul3A_126 : i32
      %mul3A_128 = arith.constant 24 : i32
      %mul3A_129 = arith.muli %mul3A_127, %mul3A_128 : i32
      %add3A_130 = arith.constant 7 : i32
      %add3A_131 = arith.addi %mul3A_129, %add3A_130 : i32
      %add3A_132 = vector.broadcast %add3A_131 : i32 to vector<16xi32>
      %add3A_133 = arith.addi %mul3A_6, %add3A_132 : vector<16xi32>
      %gather3A_134 = tpu.vector_load_idx %arg10[%add3A_133, %and3A_45] : memref<768x128xf32, #tpu.memory_space<vmem>>[vector<16xi32>, vector<16xi32>], vector<16xf32>,
      %broadcast_in_dim3A_135 = arith.constant 7 : i32
      %broadcast_in_dim3A_136 = vector.broadcast %broadcast_in_dim3A_135 : i32 to vector<16xi32>
      tpu.vector_store_idx %arg11[%add3A_49, %broadcast_in_dim3A_136], %gather3A_134 : memref<32x32xf32, #tpu.memory_space<vmem>>[vector<16xi32>, vector<16xi32>], vector<16xf32>,
      %mul3A_137 = arith.constant 16 : i32
      %mul3A_138 = arith.muli %add3A_40, %mul3A_137 : i32
      %mul3A_139 = arith.constant 24 : i32
      %mul3A_140 = arith.muli %mul3A_138, %mul3A_139 : i32
      %add3A_141 = arith.constant 8 : i32
      %add3A_142 = arith.addi %mul3A_140, %add3A_141 : i32
      %add3A_143 = vector.broadcast %add3A_142 : i32 to vector<16xi32>
      %add3A_144 = arith.addi %mul3A_6, %add3A_143 : vector<16xi32>
      %gather3A_145 = tpu.vector_load_idx %arg10[%add3A_144, %and3A_45] : memref<768x128xf32, #tpu.memory_space<vmem>>[vector<16xi32>, vector<16xi32>], vector<16xf32>,
      %broadcast_in_dim3A_146 = arith.constant 8 : i32
      %broadcast_in_dim3A_147 = vector.broadcast %broadcast_in_dim3A_146 : i32 to vector<16xi32>
      tpu.vector_store_idx %arg11[%add3A_49, %broadcast_in_dim3A_147], %gather3A_145 : memref<32x32xf32, #tpu.memory_space<vmem>>[vector<16xi32>, vector<16xi32>], vector<16xf32>,
      %mul3A_148 = arith.constant 16 : i32
      %mul3A_149 = arith.muli %add3A_40, %mul3A_148 : i32
      %mul3A_150 = arith.constant 24 : i32
      %mul3A_151 = arith.muli %mul3A_149, %mul3A_150 : i32
      %add3A_152 = arith.constant 9 : i32
      %add3A_153 = arith.addi %mul3A_151, %add3A_152 : i32
      %add3A_154 = vector.broadcast %add3A_153 : i32 to vector<16xi32>
      %add3A_155 = arith.addi %mul3A_6, %add3A_154 : vector<16xi32>
      %gather3A_156 = tpu.vector_load_idx %arg10[%add3A_155, %and3A_45] : memref<768x128xf32, #tpu.memory_space<vmem>>[vector<16xi32>, vector<16xi32>], vector<16xf32>,
      %broadcast_in_dim3A_157 = arith.constant 9 : i32
      %broadcast_in_dim3A_158 = vector.broadcast %broadcast_in_dim3A_157 : i32 to vector<16xi32>
      tpu.vector_store_idx %arg11[%add3A_49, %broadcast_in_dim3A_158], %gather3A_156 : memref<32x32xf32, #tpu.memory_space<vmem>>[vector<16xi32>, vector<16xi32>], vector<16xf32>,
      %mul3A_159 = arith.constant 16 : i32
      %mul3A_160 = arith.muli %add3A_40, %mul3A_159 : i32
      %mul3A_161 = arith.constant 24 : i32
      %mul3A_162 = arith.muli %mul3A_160, %mul3A_161 : i32
      %add3A_163 = arith.constant 10 : i32
      %add3A_164 = arith.addi %mul3A_162, %add3A_163 : i32
      %add3A_165 = vector.broadcast %add3A_164 : i32 to vector<16xi32>
      %add3A_166 = arith.addi %mul3A_6, %add3A_165 : vector<16xi32>
      %gather3A_167 = tpu.vector_load_idx %arg10[%add3A_166, %and3A_45] : memref<768x128xf32, #tpu.memory_space<vmem>>[vector<16xi32>, vector<16xi32>], vector<16xf32>,
      %broadcast_in_dim3A_168 = arith.constant 10 : i32
      %broadcast_in_dim3A_169 = vector.broadcast %broadcast_in_dim3A_168 : i32 to vector<16xi32>
      tpu.vector_store_idx %arg11[%add3A_49, %broadcast_in_dim3A_169], %gather3A_167 : memref<32x32xf32, #tpu.memory_space<vmem>>[vector<16xi32>, vector<16xi32>], vector<16xf32>,
      %mul3A_170 = arith.constant 16 : i32
      %mul3A_171 = arith.muli %add3A_40, %mul3A_170 : i32
      %mul3A_172 = arith.constant 24 : i32
      %mul3A_173 = arith.muli %mul3A_171, %mul3A_172 : i32
      %add3A_174 = arith.constant 11 : i32
      %add3A_175 = arith.addi %mul3A_173, %add3A_174 : i32
      %add3A_176 = vector.broadcast %add3A_175 : i32 to vector<16xi32>
      %add3A_177 = arith.addi %mul3A_6, %add3A_176 : vector<16xi32>
      %gather3A_178 = tpu.vector_load_idx %arg10[%add3A_177, %and3A_45] : memref<768x128xf32, #tpu.memory_space<vmem>>[vector<16xi32>, vector<16xi32>], vector<16xf32>,
      %broadcast_in_dim3A_179 = arith.constant 11 : i32
      %broadcast_in_dim3A_180 = vector.broadcast %broadcast_in_dim3A_179 : i32 to vector<16xi32>
      tpu.vector_store_idx %arg11[%add3A_49, %broadcast_in_dim3A_180], %gather3A_178 : memref<32x32xf32, #tpu.memory_space<vmem>>[vector<16xi32>, vector<16xi32>], vector<16xf32>,
      %mul3A_181 = arith.constant 16 : i32
      %mul3A_182 = arith.muli %add3A_40, %mul3A_181 : i32
      %mul3A_183 = arith.constant 24 : i32
      %mul3A_184 = arith.muli %mul3A_182, %mul3A_183 : i32
      %add3A_185 = arith.constant 12 : i32
      %add3A_186 = arith.addi %mul3A_184, %add3A_185 : i32
      %add3A_187 = vector.broadcast %add3A_186 : i32 to vector<16xi32>
      %add3A_188 = arith.addi %mul3A_6, %add3A_187 : vector<16xi32>
      %gather3A_189 = tpu.vector_load_idx %arg10[%add3A_188, %and3A_45] : memref<768x128xf32, #tpu.memory_space<vmem>>[vector<16xi32>, vector<16xi32>], vector<16xf32>,
      %broadcast_in_dim3A_190 = arith.constant 12 : i32
      %broadcast_in_dim3A_191 = vector.broadcast %broadcast_in_dim3A_190 : i32 to vector<16xi32>
      tpu.vector_store_idx %arg11[%add3A_49, %broadcast_in_dim3A_191], %gather3A_189 : memref<32x32xf32, #tpu.memory_space<vmem>>[vector<16xi32>, vector<16xi32>], vector<16xf32>,
      %mul3A_192 = arith.constant 16 : i32
      %mul3A_193 = arith.muli %add3A_40, %mul3A_192 : i32
      %mul3A_194 = arith.constant 24 : i32
      %mul3A_195 = arith.muli %mul3A_193, %mul3A_194 : i32
      %add3A_196 = arith.constant 13 : i32
      %add3A_197 = arith.addi %mul3A_195, %add3A_196 : i32
      %add3A_198 = vector.broadcast %add3A_197 : i32 to vector<16xi32>
      %add3A_199 = arith.addi %mul3A_6, %add3A_198 : vector<16xi32>
      %gather3A_200 = tpu.vector_load_idx %arg10[%add3A_199, %and3A_45] : memref<768x128xf32, #tpu.memory_space<vmem>>[vector<16xi32>, vector<16xi32>], vector<16xf32>,
      %broadcast_in_dim3A_201 = arith.constant 13 : i32
      %broadcast_in_dim3A_202 = vector.broadcast %broadcast_in_dim3A_201 : i32 to vector<16xi32>
      tpu.vector_store_idx %arg11[%add3A_49, %broadcast_in_dim3A_202], %gather3A_200 : memref<32x32xf32, #tpu.memory_space<vmem>>[vector<16xi32>, vector<16xi32>], vector<16xf32>,
      %mul3A_203 = arith.constant 16 : i32
      %mul3A_204 = arith.muli %add3A_40, %mul3A_203 : i32
      %mul3A_205 = arith.constant 24 : i32
      %mul3A_206 = arith.muli %mul3A_204, %mul3A_205 : i32
      %add3A_207 = arith.constant 14 : i32
      %add3A_208 = arith.addi %mul3A_206, %add3A_207 : i32
      %add3A_209 = vector.broadcast %add3A_208 : i32 to vector<16xi32>
      %add3A_210 = arith.addi %mul3A_6, %add3A_209 : vector<16xi32>
      %gather3A_211 = tpu.vector_load_idx %arg10[%add3A_210, %and3A_45] : memref<768x128xf32, #tpu.memory_space<vmem>>[vector<16xi32>, vector<16xi32>], vector<16xf32>,
      %broadcast_in_dim3A_212 = arith.constant 14 : i32
      %broadcast_in_dim3A_213 = vector.broadcast %broadcast_in_dim3A_212 : i32 to vector<16xi32>
      tpu.vector_store_idx %arg11[%add3A_49, %broadcast_in_dim3A_213], %gather3A_211 : memref<32x32xf32, #tpu.memory_space<vmem>>[vector<16xi32>, vector<16xi32>], vector<16xf32>,
      %mul3A_214 = arith.constant 16 : i32
      %mul3A_215 = arith.muli %add3A_40, %mul3A_214 : i32
      %mul3A_216 = arith.constant 24 : i32
      %mul3A_217 = arith.muli %mul3A_215, %mul3A_216 : i32
      %add3A_218 = arith.constant 15 : i32
      %add3A_219 = arith.addi %mul3A_217, %add3A_218 : i32
      %add3A_220 = vector.broadcast %add3A_219 : i32 to vector<16xi32>
      %add3A_221 = arith.addi %mul3A_6, %add3A_220 : vector<16xi32>
      %gather3A_222 = tpu.vector_load_idx %arg10[%add3A_221, %and3A_45] : memref<768x128xf32, #tpu.memory_space<vmem>>[vector<16xi32>, vector<16xi32>], vector<16xf32>,
      %broadcast_in_dim3A_223 = arith.constant 15 : i32
      %broadcast_in_dim3A_224 = vector.broadcast %broadcast_in_dim3A_223 : i32 to vector<16xi32>
      tpu.vector_store_idx %arg11[%add3A_49, %broadcast_in_dim3A_224], %gather3A_222 : memref<32x32xf32, #tpu.memory_space<vmem>>[vector<16xi32>, vector<16xi32>], vector<16xf32>,
      %mul3A_225 = arith.constant 16 : i32
      %mul3A_226 = arith.muli %add3A_40, %mul3A_225 : i32
      %mul3A_227 = arith.constant 24 : i32
      %mul3A_228 = arith.muli %mul3A_226, %mul3A_227 : i32
      %add3A_229 = arith.constant 16 : i32
      %add3A_230 = arith.addi %mul3A_228, %add3A_229 : i32
      %add3A_231 = vector.broadcast %add3A_230 : i32 to vector<16xi32>
      %add3A_232 = arith.addi %mul3A_6, %add3A_231 : vector<16xi32>
      %gather3A_233 = tpu.vector_load_idx %arg10[%add3A_232, %and3A_45] : memref<768x128xf32, #tpu.memory_space<vmem>>[vector<16xi32>, vector<16xi32>], vector<16xf32>,
      %broadcast_in_dim3A_234 = arith.constant 16 : i32
      %broadcast_in_dim3A_235 = vector.broadcast %broadcast_in_dim3A_234 : i32 to vector<16xi32>
      tpu.vector_store_idx %arg11[%add3A_49, %broadcast_in_dim3A_235], %gather3A_233 : memref<32x32xf32, #tpu.memory_space<vmem>>[vector<16xi32>, vector<16xi32>], vector<16xf32>,
      %mul3A_236 = arith.constant 16 : i32
      %mul3A_237 = arith.muli %add3A_40, %mul3A_236 : i32
      %mul3A_238 = arith.constant 24 : i32
      %mul3A_239 = arith.muli %mul3A_237, %mul3A_238 : i32
      %add3A_240 = arith.constant 17 : i32
      %add3A_241 = arith.addi %mul3A_239, %add3A_240 : i32
      %add3A_242 = vector.broadcast %add3A_241 : i32 to vector<16xi32>
      %add3A_243 = arith.addi %mul3A_6, %add3A_242 : vector<16xi32>
      %gather3A_244 = tpu.vector_load_idx %arg10[%add3A_243, %and3A_45] : memref<768x128xf32, #tpu.memory_space<vmem>>[vector<16xi32>, vector<16xi32>], vector<16xf32>,
      %broadcast_in_dim3A_245 = arith.constant 17 : i32
      %broadcast_in_dim3A_246 = vector.broadcast %broadcast_in_dim3A_245 : i32 to vector<16xi32>
      tpu.vector_store_idx %arg11[%add3A_49, %broadcast_in_dim3A_246], %gather3A_244 : memref<32x32xf32, #tpu.memory_space<vmem>>[vector<16xi32>, vector<16xi32>], vector<16xf32>,
      %mul3A_247 = arith.constant 16 : i32
      %mul3A_248 = arith.muli %add3A_40, %mul3A_247 : i32
      %mul3A_249 = arith.constant 24 : i32
      %mul3A_250 = arith.muli %mul3A_248, %mul3A_249 : i32
      %add3A_251 = arith.constant 18 : i32
      %add3A_252 = arith.addi %mul3A_250, %add3A_251 : i32
      %add3A_253 = vector.broadcast %add3A_252 : i32 to vector<16xi32>
      %add3A_254 = arith.addi %mul3A_6, %add3A_253 : vector<16xi32>
      %gather3A_255 = tpu.vector_load_idx %arg10[%add3A_254, %and3A_45] : memref<768x128xf32, #tpu.memory_space<vmem>>[vector<16xi32>, vector<16xi32>], vector<16xf32>,
      %broadcast_in_dim3A_256 = arith.constant 18 : i32
      %broadcast_in_dim3A_257 = vector.broadcast %broadcast_in_dim3A_256 : i32 to vector<16xi32>
      tpu.vector_store_idx %arg11[%add3A_49, %broadcast_in_dim3A_257], %gather3A_255 : memref<32x32xf32, #tpu.memory_space<vmem>>[vector<16xi32>, vector<16xi32>], vector<16xf32>,
      %mul3A_258 = arith.constant 16 : i32
      %mul3A_259 = arith.muli %add3A_40, %mul3A_258 : i32
      %mul3A_260 = arith.constant 24 : i32
      %mul3A_261 = arith.muli %mul3A_259, %mul3A_260 : i32
      %add3A_262 = arith.constant 19 : i32
      %add3A_263 = arith.addi %mul3A_261, %add3A_262 : i32
      %add3A_264 = vector.broadcast %add3A_263 : i32 to vector<16xi32>
      %add3A_265 = arith.addi %mul3A_6, %add3A_264 : vector<16xi32>
      %gather3A_266 = tpu.vector_load_idx %arg10[%add3A_265, %and3A_45] : memref<768x128xf32, #tpu.memory_space<vmem>>[vector<16xi32>, vector<16xi32>], vector<16xf32>,
      %broadcast_in_dim3A_267 = arith.constant 19 : i32
      %broadcast_in_dim3A_268 = vector.broadcast %broadcast_in_dim3A_267 : i32 to vector<16xi32>
      tpu.vector_store_idx %arg11[%add3A_49, %broadcast_in_dim3A_268], %gather3A_266 : memref<32x32xf32, #tpu.memory_space<vmem>>[vector<16xi32>, vector<16xi32>], vector<16xf32>,
      %broadcast_in_dim3A_269 = arith.constant 20 : i32
      %broadcast_in_dim3A_270 = vector.broadcast %broadcast_in_dim3A_269 : i32 to vector<16xi32>
      tpu.vector_store_idx %arg11[%add3A_49, %broadcast_in_dim3A_270], %broadcast_in_dim3A_3 : memref<32x32xf32, #tpu.memory_space<vmem>>[vector<16xi32>, vector<16xi32>], vector<16xf32>,
      %broadcast_in_dim3A_271 = arith.constant 21 : i32
      %broadcast_in_dim3A_272 = vector.broadcast %broadcast_in_dim3A_271 : i32 to vector<16xi32>
      tpu.vector_store_idx %arg11[%add3A_49, %broadcast_in_dim3A_272], %broadcast_in_dim3A_3 : memref<32x32xf32, #tpu.memory_space<vmem>>[vector<16xi32>, vector<16xi32>], vector<16xf32>,
      %broadcast_in_dim3A_273 = arith.constant 22 : i32
      %broadcast_in_dim3A_274 = vector.broadcast %broadcast_in_dim3A_273 : i32 to vector<16xi32>
      tpu.vector_store_idx %arg11[%add3A_49, %broadcast_in_dim3A_274], %broadcast_in_dim3A_3 : memref<32x32xf32, #tpu.memory_space<vmem>>[vector<16xi32>, vector<16xi32>], vector<16xf32>,
      %broadcast_in_dim3A_275 = arith.constant 23 : i32
      %broadcast_in_dim3A_276 = vector.broadcast %broadcast_in_dim3A_275 : i32 to vector<16xi32>
      tpu.vector_store_idx %arg11[%add3A_49, %broadcast_in_dim3A_276], %broadcast_in_dim3A_3 : memref<32x32xf32, #tpu.memory_space<vmem>>[vector<16xi32>, vector<16xi32>], vector<16xf32>,
      %broadcast_in_dim3A_277 = arith.constant 24 : i32
      %broadcast_in_dim3A_278 = vector.broadcast %broadcast_in_dim3A_277 : i32 to vector<16xi32>
      tpu.vector_store_idx %arg11[%add3A_49, %broadcast_in_dim3A_278], %broadcast_in_dim3A_3 : memref<32x32xf32, #tpu.memory_space<vmem>>[vector<16xi32>, vector<16xi32>], vector<16xf32>,
      %broadcast_in_dim3A_279 = arith.constant 25 : i32
      %broadcast_in_dim3A_280 = vector.broadcast %broadcast_in_dim3A_279 : i32 to vector<16xi32>
      tpu.vector_store_idx %arg11[%add3A_49, %broadcast_in_dim3A_280], %broadcast_in_dim3A_3 : memref<32x32xf32, #tpu.memory_space<vmem>>[vector<16xi32>, vector<16xi32>], vector<16xf32>,
      %broadcast_in_dim3A_281 = arith.constant 26 : i32
      %broadcast_in_dim3A_282 = vector.broadcast %broadcast_in_dim3A_281 : i32 to vector<16xi32>
      tpu.vector_store_idx %arg11[%add3A_49, %broadcast_in_dim3A_282], %broadcast_in_dim3A_3 : memref<32x32xf32, #tpu.memory_space<vmem>>[vector<16xi32>, vector<16xi32>], vector<16xf32>,
      %broadcast_in_dim3A_283 = arith.constant 27 : i32
      %broadcast_in_dim3A_284 = vector.broadcast %broadcast_in_dim3A_283 : i32 to vector<16xi32>
      tpu.vector_store_idx %arg11[%add3A_49, %broadcast_in_dim3A_284], %broadcast_in_dim3A_3 : memref<32x32xf32, #tpu.memory_space<vmem>>[vector<16xi32>, vector<16xi32>], vector<16xf32>,
      %broadcast_in_dim3A_285 = arith.constant 28 : i32
      %broadcast_in_dim3A_286 = vector.broadcast %broadcast_in_dim3A_285 : i32 to vector<16xi32>
      tpu.vector_store_idx %arg11[%add3A_49, %broadcast_in_dim3A_286], %broadcast_in_dim3A_3 : memref<32x32xf32, #tpu.memory_space<vmem>>[vector<16xi32>, vector<16xi32>], vector<16xf32>,
      %broadcast_in_dim3A_287 = arith.constant 29 : i32
      %broadcast_in_dim3A_288 = vector.broadcast %broadcast_in_dim3A_287 : i32 to vector<16xi32>
      tpu.vector_store_idx %arg11[%add3A_49, %broadcast_in_dim3A_288], %broadcast_in_dim3A_3 : memref<32x32xf32, #tpu.memory_space<vmem>>[vector<16xi32>, vector<16xi32>], vector<16xf32>,
      %broadcast_in_dim3A_289 = arith.constant 30 : i32
      %broadcast_in_dim3A_290 = vector.broadcast %broadcast_in_dim3A_289 : i32 to vector<16xi32>
      tpu.vector_store_idx %arg11[%add3A_49, %broadcast_in_dim3A_290], %broadcast_in_dim3A_3 : memref<32x32xf32, #tpu.memory_space<vmem>>[vector<16xi32>, vector<16xi32>], vector<16xf32>,
      %broadcast_in_dim3A_291 = arith.constant 31 : i32
      %broadcast_in_dim3A_292 = vector.broadcast %broadcast_in_dim3A_291 : i32 to vector<16xi32>
      tpu.vector_store_idx %arg11[%add3A_49, %broadcast_in_dim3A_292], %broadcast_in_dim3A_3 : memref<32x32xf32, #tpu.memory_space<vmem>>[vector<16xi32>, vector<16xi32>], vector<16xf32>,
    }
    %scan3A_20 = arith.constant 2 : i32
    "tpu.region"() ({
      %run_scoped3A = tpu.sem_alloc : memref<!tpu.dma_semaphore, #tpu.memory_space<semaphore_mem>>
      %dma_start3A = arith.constant 0 : i32
      %dma_start3A_36 = tpu.memref_slice %arg6[%mul3A_2, %dma_start3A] : memref<1024x32xf32, #tpu.memory_space<hbm>> -> memref<32x32xf32, #tpu.memory_space<hbm>>
      %dma_start3A_37 = arith.constant 0 : i32
      %dma_start3A_38 = tpu.memref_slice %arg6[%mul3A_2, %dma_start3A_37] : memref<1024x32xf32, #tpu.memory_space<hbm>> -> memref<32x32xf32, #tpu.memory_space<hbm>>
      tpu.enqueue_dma source(%arg11 : memref<32x32xf32, #tpu.memory_space<vmem>>) target(%dma_start3A_38 : memref<32x32xf32, #tpu.memory_space<hbm>>) target_semaphore(%run_scoped3A : memref<!tpu.dma_semaphore, #tpu.memory_space<semaphore_mem>>)
      %dma_wait3A = arith.constant 0 : i32
      %dma_wait3A_39 = tpu.memref_slice %arg6[%mul3A_2, %dma_wait3A] : memref<1024x32xf32, #tpu.memory_space<hbm>> -> memref<32x32xf32, #tpu.memory_space<hbm>>
      %dma_wait3A_40 = arith.constant 0 : i32
      %dma_wait3A_41 = tpu.memref_slice %arg6[%mul3A_2, %dma_wait3A_40] : memref<1024x32xf32, #tpu.memory_space<hbm>> -> memref<32x32xf32, #tpu.memory_space<hbm>>
      tpu.wait_dma2 semaphore(%run_scoped3A : memref<!tpu.dma_semaphore, #tpu.memory_space<semaphore_mem>>) src(%arg11 : memref<32x32xf32, #tpu.memory_space<vmem>>) dst(%dma_wait3A_41 : memref<32x32xf32, #tpu.memory_space<hbm>>)
      tpu.yield
    }) : () -> ()
    %scan3A_21 = arith.constant 0 : i32
    %scan3A_22 = arith.constant 2 : i32
    %scan3A_23 = arith.addi %scan3A_21, %scan3A_22 : i32
    %scan3A_24 = arith.constant 1 : i32
    scf.for %scan3A_36 = %scan3A_21 to %scan3A_23 step %scan3A_24  : i32 {
      %mul3A_37 = arith.constant 1 : i32
      %mul3A_38 = arith.muli %scan3A_36, %mul3A_37 : i32
      %add3A_39 = arith.constant 0 : i32
      %add3A_40 = arith.addi %add3A_39, %mul3A_38 : i32
      %mul3A_41 = arith.constant 16 : i32
      %mul3A_42 = arith.muli %add3A_40, %mul3A_41 : i32
      %get3A = arith.index_cast %mul3A_42 : i32 to index
      %get3A_43 = tpu.vector_load %arg9[%get3A] {strides = array<i32>} : memref<32xi32, #tpu.memory_space<vmem>>, vector<16xi32>,
      %and3A = arith.constant -128 : i32
      %and3A_44 = vector.broadcast %and3A : i32 to vector<16xi32>
      %and3A_45 = arith.andi %get3A_43, %and3A_44 : vector<16xi32>
      %slice3A = vector.extract_strided_slice %and3A_45 {offsets = [0], sizes = [1], strides = [1]} : vector<16xi32> to vector<1xi32>
      %squeeze3A = vector.extract %slice3A[0] : i32 from vector<1xi32>
      %multiple_of3A = tpu.assume_multiple %squeeze3A, 128 : i32
      %mul3A_46 = arith.constant 16 : i32
      %mul3A_47 = arith.muli %add3A_40, %mul3A_46 : i32
      %add3A_48 = arith.constant 0 : i32
      %add3A_49 = arith.addi %mul3A_47, %add3A_48 : i32
      %mul3A_50 = arith.constant 24 : i32
      %mul3A_51 = arith.muli %add3A_49, %mul3A_50 : i32
      %dma_start3A = arith.constant 0 : i32
      %dma_start3A_52 = tpu.memref_slice %arg10[%mul3A_51, %dma_start3A] : memref<768x128xf32, #tpu.memory_space<vmem>> -> memref<20x128xf32, #tpu.memory_space<vmem>>
      %dma_start3A_53 = arith.constant 0 : i32
      %dma_start3A_54 = tpu.memref_slice %arg5[%dma_start3A_53, %multiple_of3A] : memref<20x100000xf32, #tpu.memory_space<hbm>> -> memref<20x128xf32, #tpu.memory_space<hbm>>
      %dma_start3A_55 = arith.constant 0 : i32
      %dma_start3A_56 = tpu.memref_slice %arg10[%mul3A_51, %dma_start3A_55] : memref<768x128xf32, #tpu.memory_space<vmem>> -> memref<20x128xf32, #tpu.memory_space<vmem>>
      %dma_start3A_57 = arith.constant 0 : i32
      %dma_start3A_58 = tpu.memref_slice %arg5[%dma_start3A_57, %multiple_of3A] : memref<20x100000xf32, #tpu.memory_space<hbm>> -> memref<20x128xf32, #tpu.memory_space<hbm>>
      tpu.enqueue_dma source(%dma_start3A_58 : memref<20x128xf32, #tpu.memory_space<hbm>>) target(%dma_start3A_56 : memref<20x128xf32, #tpu.memory_space<vmem>>) target_semaphore(%arg13 : memref<!tpu.dma_semaphore, #tpu.memory_space<semaphore_mem>>)
      %slice3A_59 = vector.extract_strided_slice %and3A_45 {offsets = [1], sizes = [1], strides = [1]} : vector<16xi32> to vector<1xi32>
      %squeeze3A_60 = vector.extract %slice3A_59[0] : i32 from vector<1xi32>
      %multiple_of3A_61 = tpu.assume_multiple %squeeze3A_60, 128 : i32
      %mul3A_62 = arith.constant 16 : i32
      %mul3A_63 = arith.muli %add3A_40, %mul3A_62 : i32
      %add3A_64 = arith.constant 1 : i32
      %add3A_65 = arith.addi %mul3A_63, %add3A_64 : i32
      %mul3A_66 = arith.constant 24 : i32
      %mul3A_67 = arith.muli %add3A_65, %mul3A_66 : i32
      %dma_start3A_68 = arith.constant 0 : i32
      %dma_start3A_69 = tpu.memref_slice %arg10[%mul3A_67, %dma_start3A_68] : memref<768x128xf32, #tpu.memory_space<vmem>> -> memref<20x128xf32, #tpu.memory_space<vmem>>
      %dma_start3A_70 = arith.constant 0 : i32
      %dma_start3A_71 = tpu.memref_slice %arg5[%dma_start3A_70, %multiple_of3A_61] : memref<20x100000xf32, #tpu.memory_space<hbm>> -> memref<20x128xf32, #tpu.memory_space<hbm>>
      %dma_start3A_72 = arith.constant 0 : i32
      %dma_start3A_73 = tpu.memref_slice %arg10[%mul3A_67, %dma_start3A_72] : memref<768x128xf32, #tpu.memory_space<vmem>> -> memref<20x128xf32, #tpu.memory_space<vmem>>
      %dma_start3A_74 = arith.constant 0 : i32
      %dma_start3A_75 = tpu.memref_slice %arg5[%dma_start3A_74, %multiple_of3A_61] : memref<20x100000xf32, #tpu.memory_space<hbm>> -> memref<20x128xf32, #tpu.memory_space<hbm>>
      tpu.enqueue_dma source(%dma_start3A_75 : memref<20x128xf32, #tpu.memory_space<hbm>>) target(%dma_start3A_73 : memref<20x128xf32, #tpu.memory_space<vmem>>) target_semaphore(%arg13 : memref<!tpu.dma_semaphore, #tpu.memory_space<semaphore_mem>>)
      %slice3A_76 = vector.extract_strided_slice %and3A_45 {offsets = [2], sizes = [1], strides = [1]} : vector<16xi32> to vector<1xi32>
      %squeeze3A_77 = vector.extract %slice3A_76[0] : i32 from vector<1xi32>
      %multiple_of3A_78 = tpu.assume_multiple %squeeze3A_77, 128 : i32
      %mul3A_79 = arith.constant 16 : i32
      %mul3A_80 = arith.muli %add3A_40, %mul3A_79 : i32
      %add3A_81 = arith.constant 2 : i32
      %add3A_82 = arith.addi %mul3A_80, %add3A_81 : i32
      %mul3A_83 = arith.constant 24 : i32
      %mul3A_84 = arith.muli %add3A_82, %mul3A_83 : i32
      %dma_start3A_85 = arith.constant 0 : i32
      %dma_start3A_86 = tpu.memref_slice %arg10[%mul3A_84, %dma_start3A_85] : memref<768x128xf32, #tpu.memory_space<vmem>> -> memref<20x128xf32, #tpu.memory_space<vmem>>
      %dma_start3A_87 = arith.constant 0 : i32
      %dma_start3A_88 = tpu.memref_slice %arg5[%dma_start3A_87, %multiple_of3A_78] : memref<20x100000xf32, #tpu.memory_space<hbm>> -> memref<20x128xf32, #tpu.memory_space<hbm>>
      %dma_start3A_89 = arith.constant 0 : i32
      %dma_start3A_90 = tpu.memref_slice %arg10[%mul3A_84, %dma_start3A_89] : memref<768x128xf32, #tpu.memory_space<vmem>> -> memref<20x128xf32, #tpu.memory_space<vmem>>
      %dma_start3A_91 = arith.constant 0 : i32
      %dma_start3A_92 = tpu.memref_slice %arg5[%dma_start3A_91, %multiple_of3A_78] : memref<20x100000xf32, #tpu.memory_space<hbm>> -> memref<20x128xf32, #tpu.memory_space<hbm>>
      tpu.enqueue_dma source(%dma_start3A_92 : memref<20x128xf32, #tpu.memory_space<hbm>>) target(%dma_start3A_90 : memref<20x128xf32, #tpu.memory_space<vmem>>) target_semaphore(%arg13 : memref<!tpu.dma_semaphore, #tpu.memory_space<semaphore_mem>>)
      %slice3A_93 = vector.extract_strided_slice %and3A_45 {offsets = [3], sizes = [1], strides = [1]} : vector<16xi32> to vector<1xi32>
      %squeeze3A_94 = vector.extract %slice3A_93[0] : i32 from vector<1xi32>
      %multiple_of3A_95 = tpu.assume_multiple %squeeze3A_94, 128 : i32
      %mul3A_96 = arith.constant 16 : i32
      %mul3A_97 = arith.muli %add3A_40, %mul3A_96 : i32
      %add3A_98 = arith.constant 3 : i32
      %add3A_99 = arith.addi %mul3A_97, %add3A_98 : i32
      %mul3A_100 = arith.constant 24 : i32
      %mul3A_101 = arith.muli %add3A_99, %mul3A_100 : i32
      %dma_start3A_102 = arith.constant 0 : i32
      %dma_start3A_103 = tpu.memref_slice %arg10[%mul3A_101, %dma_start3A_102] : memref<768x128xf32, #tpu.memory_space<vmem>> -> memref<20x128xf32, #tpu.memory_space<vmem>>
      %dma_start3A_104 = arith.constant 0 : i32
      %dma_start3A_105 = tpu.memref_slice %arg5[%dma_start3A_104, %multiple_of3A_95] : memref<20x100000xf32, #tpu.memory_space<hbm>> -> memref<20x128xf32, #tpu.memory_space<hbm>>
      %dma_start3A_106 = arith.constant 0 : i32
      %dma_start3A_107 = tpu.memref_slice %arg10[%mul3A_101, %dma_start3A_106] : memref<768x128xf32, #tpu.memory_space<vmem>> -> memref<20x128xf32, #tpu.memory_space<vmem>>
      %dma_start3A_108 = arith.constant 0 : i32
      %dma_start3A_109 = tpu.memref_slice %arg5[%dma_start3A_108, %multiple_of3A_95] : memref<20x100000xf32, #tpu.memory_space<hbm>> -> memref<20x128xf32, #tpu.memory_space<hbm>>
      tpu.enqueue_dma source(%dma_start3A_109 : memref<20x128xf32, #tpu.memory_space<hbm>>) target(%dma_start3A_107 : memref<20x128xf32, #tpu.memory_space<vmem>>) target_semaphore(%arg13 : memref<!tpu.dma_semaphore, #tpu.memory_space<semaphore_mem>>)
      %slice3A_110 = vector.extract_strided_slice %and3A_45 {offsets = [4], sizes = [1], strides = [1]} : vector<16xi32> to vector<1xi32>
      %squeeze3A_111 = vector.extract %slice3A_110[0] : i32 from vector<1xi32>
      %multiple_of3A_112 = tpu.assume_multiple %squeeze3A_111, 128 : i32
      %mul3A_113 = arith.constant 16 : i32
      %mul3A_114 = arith.muli %add3A_40, %mul3A_113 : i32
      %add3A_115 = arith.constant 4 : i32
      %add3A_116 = arith.addi %mul3A_114, %add3A_115 : i32
      %mul3A_117 = arith.constant 24 : i32
      %mul3A_118 = arith.muli %add3A_116, %mul3A_117 : i32
      %dma_start3A_119 = arith.constant 0 : i32
      %dma_start3A_120 = tpu.memref_slice %arg10[%mul3A_118, %dma_start3A_119] : memref<768x128xf32, #tpu.memory_space<vmem>> -> memref<20x128xf32, #tpu.memory_space<vmem>>
      %dma_start3A_121 = arith.constant 0 : i32
      %dma_start3A_122 = tpu.memref_slice %arg5[%dma_start3A_121, %multiple_of3A_112] : memref<20x100000xf32, #tpu.memory_space<hbm>> -> memref<20x128xf32, #tpu.memory_space<hbm>>
      %dma_start3A_123 = arith.constant 0 : i32
      %dma_start3A_124 = tpu.memref_slice %arg10[%mul3A_118, %dma_start3A_123] : memref<768x128xf32, #tpu.memory_space<vmem>> -> memref<20x128xf32, #tpu.memory_space<vmem>>
      %dma_start3A_125 = arith.constant 0 : i32
      %dma_start3A_126 = tpu.memref_slice %arg5[%dma_start3A_125, %multiple_of3A_112] : memref<20x100000xf32, #tpu.memory_space<hbm>> -> memref<20x128xf32, #tpu.memory_space<hbm>>
      tpu.enqueue_dma source(%dma_start3A_126 : memref<20x128xf32, #tpu.memory_space<hbm>>) target(%dma_start3A_124 : memref<20x128xf32, #tpu.memory_space<vmem>>) target_semaphore(%arg13 : memref<!tpu.dma_semaphore, #tpu.memory_space<semaphore_mem>>)
      %slice3A_127 = vector.extract_strided_slice %and3A_45 {offsets = [5], sizes = [1], strides = [1]} : vector<16xi32> to vector<1xi32>
      %squeeze3A_128 = vector.extract %slice3A_127[0] : i32 from vector<1xi32>
      %multiple_of3A_129 = tpu.assume_multiple %squeeze3A_128, 128 : i32
      %mul3A_130 = arith.constant 16 : i32
      %mul3A_131 = arith.muli %add3A_40, %mul3A_130 : i32
      %add3A_132 = arith.constant 5 : i32
      %add3A_133 = arith.addi %mul3A_131, %add3A_132 : i32
      %mul3A_134 = arith.constant 24 : i32
      %mul3A_135 = arith.muli %add3A_133, %mul3A_134 : i32
      %dma_start3A_136 = arith.constant 0 : i32
      %dma_start3A_137 = tpu.memref_slice %arg10[%mul3A_135, %dma_start3A_136] : memref<768x128xf32, #tpu.memory_space<vmem>> -> memref<20x128xf32, #tpu.memory_space<vmem>>
      %dma_start3A_138 = arith.constant 0 : i32
      %dma_start3A_139 = tpu.memref_slice %arg5[%dma_start3A_138, %multiple_of3A_129] : memref<20x100000xf32, #tpu.memory_space<hbm>> -> memref<20x128xf32, #tpu.memory_space<hbm>>
      %dma_start3A_140 = arith.constant 0 : i32
      %dma_start3A_141 = tpu.memref_slice %arg10[%mul3A_135, %dma_start3A_140] : memref<768x128xf32, #tpu.memory_space<vmem>> -> memref<20x128xf32, #tpu.memory_space<vmem>>
      %dma_start3A_142 = arith.constant 0 : i32
      %dma_start3A_143 = tpu.memref_slice %arg5[%dma_start3A_142, %multiple_of3A_129] : memref<20x100000xf32, #tpu.memory_space<hbm>> -> memref<20x128xf32, #tpu.memory_space<hbm>>
      tpu.enqueue_dma source(%dma_start3A_143 : memref<20x128xf32, #tpu.memory_space<hbm>>) target(%dma_start3A_141 : memref<20x128xf32, #tpu.memory_space<vmem>>) target_semaphore(%arg13 : memref<!tpu.dma_semaphore, #tpu.memory_space<semaphore_mem>>)
      %slice3A_144 = vector.extract_strided_slice %and3A_45 {offsets = [6], sizes = [1], strides = [1]} : vector<16xi32> to vector<1xi32>
      %squeeze3A_145 = vector.extract %slice3A_144[0] : i32 from vector<1xi32>
      %multiple_of3A_146 = tpu.assume_multiple %squeeze3A_145, 128 : i32
      %mul3A_147 = arith.constant 16 : i32
      %mul3A_148 = arith.muli %add3A_40, %mul3A_147 : i32
      %add3A_149 = arith.constant 6 : i32
      %add3A_150 = arith.addi %mul3A_148, %add3A_149 : i32
      %mul3A_151 = arith.constant 24 : i32
      %mul3A_152 = arith.muli %add3A_150, %mul3A_151 : i32
      %dma_start3A_153 = arith.constant 0 : i32
      %dma_start3A_154 = tpu.memref_slice %arg10[%mul3A_152, %dma_start3A_153] : memref<768x128xf32, #tpu.memory_space<vmem>> -> memref<20x128xf32, #tpu.memory_space<vmem>>
      %dma_start3A_155 = arith.constant 0 : i32
      %dma_start3A_156 = tpu.memref_slice %arg5[%dma_start3A_155, %multiple_of3A_146] : memref<20x100000xf32, #tpu.memory_space<hbm>> -> memref<20x128xf32, #tpu.memory_space<hbm>>
      %dma_start3A_157 = arith.constant 0 : i32
      %dma_start3A_158 = tpu.memref_slice %arg10[%mul3A_152, %dma_start3A_157] : memref<768x128xf32, #tpu.memory_space<vmem>> -> memref<20x128xf32, #tpu.memory_space<vmem>>
      %dma_start3A_159 = arith.constant 0 : i32
      %dma_start3A_160 = tpu.memref_slice %arg5[%dma_start3A_159, %multiple_of3A_146] : memref<20x100000xf32, #tpu.memory_space<hbm>> -> memref<20x128xf32, #tpu.memory_space<hbm>>
      tpu.enqueue_dma source(%dma_start3A_160 : memref<20x128xf32, #tpu.memory_space<hbm>>) target(%dma_start3A_158 : memref<20x128xf32, #tpu.memory_space<vmem>>) target_semaphore(%arg13 : memref<!tpu.dma_semaphore, #tpu.memory_space<semaphore_mem>>)
      %slice3A_161 = vector.extract_strided_slice %and3A_45 {offsets = [7], sizes = [1], strides = [1]} : vector<16xi32> to vector<1xi32>
      %squeeze3A_162 = vector.extract %slice3A_161[0] : i32 from vector<1xi32>
      %multiple_of3A_163 = tpu.assume_multiple %squeeze3A_162, 128 : i32
      %mul3A_164 = arith.constant 16 : i32
      %mul3A_165 = arith.muli %add3A_40, %mul3A_164 : i32
      %add3A_166 = arith.constant 7 : i32
      %add3A_167 = arith.addi %mul3A_165, %add3A_166 : i32
      %mul3A_168 = arith.constant 24 : i32
      %mul3A_169 = arith.muli %add3A_167, %mul3A_168 : i32
      %dma_start3A_170 = arith.constant 0 : i32
      %dma_start3A_171 = tpu.memref_slice %arg10[%mul3A_169, %dma_start3A_170] : memref<768x128xf32, #tpu.memory_space<vmem>> -> memref<20x128xf32, #tpu.memory_space<vmem>>
      %dma_start3A_172 = arith.constant 0 : i32
      %dma_start3A_173 = tpu.memref_slice %arg5[%dma_start3A_172, %multiple_of3A_163] : memref<20x100000xf32, #tpu.memory_space<hbm>> -> memref<20x128xf32, #tpu.memory_space<hbm>>
      %dma_start3A_174 = arith.constant 0 : i32
      %dma_start3A_175 = tpu.memref_slice %arg10[%mul3A_169, %dma_start3A_174] : memref<768x128xf32, #tpu.memory_space<vmem>> -> memref<20x128xf32, #tpu.memory_space<vmem>>
      %dma_start3A_176 = arith.constant 0 : i32
      %dma_start3A_177 = tpu.memref_slice %arg5[%dma_start3A_176, %multiple_of3A_163] : memref<20x100000xf32, #tpu.memory_space<hbm>> -> memref<20x128xf32, #tpu.memory_space<hbm>>
      tpu.enqueue_dma source(%dma_start3A_177 : memref<20x128xf32, #tpu.memory_space<hbm>>) target(%dma_start3A_175 : memref<20x128xf32, #tpu.memory_space<vmem>>) target_semaphore(%arg13 : memref<!tpu.dma_semaphore, #tpu.memory_space<semaphore_mem>>)
      %slice3A_178 = vector.extract_strided_slice %and3A_45 {offsets = [8], sizes = [1], strides = [1]} : vector<16xi32> to vector<1xi32>
      %squeeze3A_179 = vector.extract %slice3A_178[0] : i32 from vector<1xi32>
      %multiple_of3A_180 = tpu.assume_multiple %squeeze3A_179, 128 : i32
      %mul3A_181 = arith.constant 16 : i32
      %mul3A_182 = arith.muli %add3A_40, %mul3A_181 : i32
      %add3A_183 = arith.constant 8 : i32
      %add3A_184 = arith.addi %mul3A_182, %add3A_183 : i32
      %mul3A_185 = arith.constant 24 : i32
      %mul3A_186 = arith.muli %add3A_184, %mul3A_185 : i32
      %dma_start3A_187 = arith.constant 0 : i32
      %dma_start3A_188 = tpu.memref_slice %arg10[%mul3A_186, %dma_start3A_187] : memref<768x128xf32, #tpu.memory_space<vmem>> -> memref<20x128xf32, #tpu.memory_space<vmem>>
      %dma_start3A_189 = arith.constant 0 : i32
      %dma_start3A_190 = tpu.memref_slice %arg5[%dma_start3A_189, %multiple_of3A_180] : memref<20x100000xf32, #tpu.memory_space<hbm>> -> memref<20x128xf32, #tpu.memory_space<hbm>>
      %dma_start3A_191 = arith.constant 0 : i32
      %dma_start3A_192 = tpu.memref_slice %arg10[%mul3A_186, %dma_start3A_191] : memref<768x128xf32, #tpu.memory_space<vmem>> -> memref<20x128xf32, #tpu.memory_space<vmem>>
      %dma_start3A_193 = arith.constant 0 : i32
      %dma_start3A_194 = tpu.memref_slice %arg5[%dma_start3A_193, %multiple_of3A_180] : memref<20x100000xf32, #tpu.memory_space<hbm>> -> memref<20x128xf32, #tpu.memory_space<hbm>>
      tpu.enqueue_dma source(%dma_start3A_194 : memref<20x128xf32, #tpu.memory_space<hbm>>) target(%dma_start3A_192 : memref<20x128xf32, #tpu.memory_space<vmem>>) target_semaphore(%arg13 : memref<!tpu.dma_semaphore, #tpu.memory_space<semaphore_mem>>)
      %slice3A_195 = vector.extract_strided_slice %and3A_45 {offsets = [9], sizes = [1], strides = [1]} : vector<16xi32> to vector<1xi32>
      %squeeze3A_196 = vector.extract %slice3A_195[0] : i32 from vector<1xi32>
      %multiple_of3A_197 = tpu.assume_multiple %squeeze3A_196, 128 : i32
      %mul3A_198 = arith.constant 16 : i32
      %mul3A_199 = arith.muli %add3A_40, %mul3A_198 : i32
      %add3A_200 = arith.constant 9 : i32
      %add3A_201 = arith.addi %mul3A_199, %add3A_200 : i32
      %mul3A_202 = arith.constant 24 : i32
      %mul3A_203 = arith.muli %add3A_201, %mul3A_202 : i32
      %dma_start3A_204 = arith.constant 0 : i32
      %dma_start3A_205 = tpu.memref_slice %arg10[%mul3A_203, %dma_start3A_204] : memref<768x128xf32, #tpu.memory_space<vmem>> -> memref<20x128xf32, #tpu.memory_space<vmem>>
      %dma_start3A_206 = arith.constant 0 : i32
      %dma_start3A_207 = tpu.memref_slice %arg5[%dma_start3A_206, %multiple_of3A_197] : memref<20x100000xf32, #tpu.memory_space<hbm>> -> memref<20x128xf32, #tpu.memory_space<hbm>>
      %dma_start3A_208 = arith.constant 0 : i32
      %dma_start3A_209 = tpu.memref_slice %arg10[%mul3A_203, %dma_start3A_208] : memref<768x128xf32, #tpu.memory_space<vmem>> -> memref<20x128xf32, #tpu.memory_space<vmem>>
      %dma_start3A_210 = arith.constant 0 : i32
      %dma_start3A_211 = tpu.memref_slice %arg5[%dma_start3A_210, %multiple_of3A_197] : memref<20x100000xf32, #tpu.memory_space<hbm>> -> memref<20x128xf32, #tpu.memory_space<hbm>>
      tpu.enqueue_dma source(%dma_start3A_211 : memref<20x128xf32, #tpu.memory_space<hbm>>) target(%dma_start3A_209 : memref<20x128xf32, #tpu.memory_space<vmem>>) target_semaphore(%arg13 : memref<!tpu.dma_semaphore, #tpu.memory_space<semaphore_mem>>)
      %slice3A_212 = vector.extract_strided_slice %and3A_45 {offsets = [10], sizes = [1], strides = [1]} : vector<16xi32> to vector<1xi32>
      %squeeze3A_213 = vector.extract %slice3A_212[0] : i32 from vector<1xi32>
      %multiple_of3A_214 = tpu.assume_multiple %squeeze3A_213, 128 : i32
      %mul3A_215 = arith.constant 16 : i32
      %mul3A_216 = arith.muli %add3A_40, %mul3A_215 : i32
      %add3A_217 = arith.constant 10 : i32
      %add3A_218 = arith.addi %mul3A_216, %add3A_217 : i32
      %mul3A_219 = arith.constant 24 : i32
      %mul3A_220 = arith.muli %add3A_218, %mul3A_219 : i32
      %dma_start3A_221 = arith.constant 0 : i32
      %dma_start3A_222 = tpu.memref_slice %arg10[%mul3A_220, %dma_start3A_221] : memref<768x128xf32, #tpu.memory_space<vmem>> -> memref<20x128xf32, #tpu.memory_space<vmem>>
      %dma_start3A_223 = arith.constant 0 : i32
      %dma_start3A_224 = tpu.memref_slice %arg5[%dma_start3A_223, %multiple_of3A_214] : memref<20x100000xf32, #tpu.memory_space<hbm>> -> memref<20x128xf32, #tpu.memory_space<hbm>>
      %dma_start3A_225 = arith.constant 0 : i32
      %dma_start3A_226 = tpu.memref_slice %arg10[%mul3A_220, %dma_start3A_225] : memref<768x128xf32, #tpu.memory_space<vmem>> -> memref<20x128xf32, #tpu.memory_space<vmem>>
      %dma_start3A_227 = arith.constant 0 : i32
      %dma_start3A_228 = tpu.memref_slice %arg5[%dma_start3A_227, %multiple_of3A_214] : memref<20x100000xf32, #tpu.memory_space<hbm>> -> memref<20x128xf32, #tpu.memory_space<hbm>>
      tpu.enqueue_dma source(%dma_start3A_228 : memref<20x128xf32, #tpu.memory_space<hbm>>) target(%dma_start3A_226 : memref<20x128xf32, #tpu.memory_space<vmem>>) target_semaphore(%arg13 : memref<!tpu.dma_semaphore, #tpu.memory_space<semaphore_mem>>)
      %slice3A_229 = vector.extract_strided_slice %and3A_45 {offsets = [11], sizes = [1], strides = [1]} : vector<16xi32> to vector<1xi32>
      %squeeze3A_230 = vector.extract %slice3A_229[0] : i32 from vector<1xi32>
      %multiple_of3A_231 = tpu.assume_multiple %squeeze3A_230, 128 : i32
      %mul3A_232 = arith.constant 16 : i32
      %mul3A_233 = arith.muli %add3A_40, %mul3A_232 : i32
      %add3A_234 = arith.constant 11 : i32
      %add3A_235 = arith.addi %mul3A_233, %add3A_234 : i32
      %mul3A_236 = arith.constant 24 : i32
      %mul3A_237 = arith.muli %add3A_235, %mul3A_236 : i32
      %dma_start3A_238 = arith.constant 0 : i32
      %dma_start3A_239 = tpu.memref_slice %arg10[%mul3A_237, %dma_start3A_238] : memref<768x128xf32, #tpu.memory_space<vmem>> -> memref<20x128xf32, #tpu.memory_space<vmem>>
      %dma_start3A_240 = arith.constant 0 : i32
      %dma_start3A_241 = tpu.memref_slice %arg5[%dma_start3A_240, %multiple_of3A_231] : memref<20x100000xf32, #tpu.memory_space<hbm>> -> memref<20x128xf32, #tpu.memory_space<hbm>>
      %dma_start3A_242 = arith.constant 0 : i32
      %dma_start3A_243 = tpu.memref_slice %arg10[%mul3A_237, %dma_start3A_242] : memref<768x128xf32, #tpu.memory_space<vmem>> -> memref<20x128xf32, #tpu.memory_space<vmem>>
      %dma_start3A_244 = arith.constant 0 : i32
      %dma_start3A_245 = tpu.memref_slice %arg5[%dma_start3A_244, %multiple_of3A_231] : memref<20x100000xf32, #tpu.memory_space<hbm>> -> memref<20x128xf32, #tpu.memory_space<hbm>>
      tpu.enqueue_dma source(%dma_start3A_245 : memref<20x128xf32, #tpu.memory_space<hbm>>) target(%dma_start3A_243 : memref<20x128xf32, #tpu.memory_space<vmem>>) target_semaphore(%arg13 : memref<!tpu.dma_semaphore, #tpu.memory_space<semaphore_mem>>)
      %slice3A_246 = vector.extract_strided_slice %and3A_45 {offsets = [12], sizes = [1], strides = [1]} : vector<16xi32> to vector<1xi32>
      %squeeze3A_247 = vector.extract %slice3A_246[0] : i32 from vector<1xi32>
      %multiple_of3A_248 = tpu.assume_multiple %squeeze3A_247, 128 : i32
      %mul3A_249 = arith.constant 16 : i32
      %mul3A_250 = arith.muli %add3A_40, %mul3A_249 : i32
      %add3A_251 = arith.constant 12 : i32
      %add3A_252 = arith.addi %mul3A_250, %add3A_251 : i32
      %mul3A_253 = arith.constant 24 : i32
      %mul3A_254 = arith.muli %add3A_252, %mul3A_253 : i32
      %dma_start3A_255 = arith.constant 0 : i32
      %dma_start3A_256 = tpu.memref_slice %arg10[%mul3A_254, %dma_start3A_255] : memref<768x128xf32, #tpu.memory_space<vmem>> -> memref<20x128xf32, #tpu.memory_space<vmem>>
      %dma_start3A_257 = arith.constant 0 : i32
      %dma_start3A_258 = tpu.memref_slice %arg5[%dma_start3A_257, %multiple_of3A_248] : memref<20x100000xf32, #tpu.memory_space<hbm>> -> memref<20x128xf32, #tpu.memory_space<hbm>>
      %dma_start3A_259 = arith.constant 0 : i32
      %dma_start3A_260 = tpu.memref_slice %arg10[%mul3A_254, %dma_start3A_259] : memref<768x128xf32, #tpu.memory_space<vmem>> -> memref<20x128xf32, #tpu.memory_space<vmem>>
      %dma_start3A_261 = arith.constant 0 : i32
      %dma_start3A_262 = tpu.memref_slice %arg5[%dma_start3A_261, %multiple_of3A_248] : memref<20x100000xf32, #tpu.memory_space<hbm>> -> memref<20x128xf32, #tpu.memory_space<hbm>>
      tpu.enqueue_dma source(%dma_start3A_262 : memref<20x128xf32, #tpu.memory_space<hbm>>) target(%dma_start3A_260 : memref<20x128xf32, #tpu.memory_space<vmem>>) target_semaphore(%arg13 : memref<!tpu.dma_semaphore, #tpu.memory_space<semaphore_mem>>)
      %slice3A_263 = vector.extract_strided_slice %and3A_45 {offsets = [13], sizes = [1], strides = [1]} : vector<16xi32> to vector<1xi32>
      %squeeze3A_264 = vector.extract %slice3A_263[0] : i32 from vector<1xi32>
      %multiple_of3A_265 = tpu.assume_multiple %squeeze3A_264, 128 : i32
      %mul3A_266 = arith.constant 16 : i32
      %mul3A_267 = arith.muli %add3A_40, %mul3A_266 : i32
      %add3A_268 = arith.constant 13 : i32
      %add3A_269 = arith.addi %mul3A_267, %add3A_268 : i32
      %mul3A_270 = arith.constant 24 : i32
      %mul3A_271 = arith.muli %add3A_269, %mul3A_270 : i32
      %dma_start3A_272 = arith.constant 0 : i32
      %dma_start3A_273 = tpu.memref_slice %arg10[%mul3A_271, %dma_start3A_272] : memref<768x128xf32, #tpu.memory_space<vmem>> -> memref<20x128xf32, #tpu.memory_space<vmem>>
      %dma_start3A_274 = arith.constant 0 : i32
      %dma_start3A_275 = tpu.memref_slice %arg5[%dma_start3A_274, %multiple_of3A_265] : memref<20x100000xf32, #tpu.memory_space<hbm>> -> memref<20x128xf32, #tpu.memory_space<hbm>>
      %dma_start3A_276 = arith.constant 0 : i32
      %dma_start3A_277 = tpu.memref_slice %arg10[%mul3A_271, %dma_start3A_276] : memref<768x128xf32, #tpu.memory_space<vmem>> -> memref<20x128xf32, #tpu.memory_space<vmem>>
      %dma_start3A_278 = arith.constant 0 : i32
      %dma_start3A_279 = tpu.memref_slice %arg5[%dma_start3A_278, %multiple_of3A_265] : memref<20x100000xf32, #tpu.memory_space<hbm>> -> memref<20x128xf32, #tpu.memory_space<hbm>>
      tpu.enqueue_dma source(%dma_start3A_279 : memref<20x128xf32, #tpu.memory_space<hbm>>) target(%dma_start3A_277 : memref<20x128xf32, #tpu.memory_space<vmem>>) target_semaphore(%arg13 : memref<!tpu.dma_semaphore, #tpu.memory_space<semaphore_mem>>)
      %slice3A_280 = vector.extract_strided_slice %and3A_45 {offsets = [14], sizes = [1], strides = [1]} : vector<16xi32> to vector<1xi32>
      %squeeze3A_281 = vector.extract %slice3A_280[0] : i32 from vector<1xi32>
      %multiple_of3A_282 = tpu.assume_multiple %squeeze3A_281, 128 : i32
      %mul3A_283 = arith.constant 16 : i32
      %mul3A_284 = arith.muli %add3A_40, %mul3A_283 : i32
      %add3A_285 = arith.constant 14 : i32
      %add3A_286 = arith.addi %mul3A_284, %add3A_285 : i32
      %mul3A_287 = arith.constant 24 : i32
      %mul3A_288 = arith.muli %add3A_286, %mul3A_287 : i32
      %dma_start3A_289 = arith.constant 0 : i32
      %dma_start3A_290 = tpu.memref_slice %arg10[%mul3A_288, %dma_start3A_289] : memref<768x128xf32, #tpu.memory_space<vmem>> -> memref<20x128xf32, #tpu.memory_space<vmem>>
      %dma_start3A_291 = arith.constant 0 : i32
      %dma_start3A_292 = tpu.memref_slice %arg5[%dma_start3A_291, %multiple_of3A_282] : memref<20x100000xf32, #tpu.memory_space<hbm>> -> memref<20x128xf32, #tpu.memory_space<hbm>>
      %dma_start3A_293 = arith.constant 0 : i32
      %dma_start3A_294 = tpu.memref_slice %arg10[%mul3A_288, %dma_start3A_293] : memref<768x128xf32, #tpu.memory_space<vmem>> -> memref<20x128xf32, #tpu.memory_space<vmem>>
      %dma_start3A_295 = arith.constant 0 : i32
      %dma_start3A_296 = tpu.memref_slice %arg5[%dma_start3A_295, %multiple_of3A_282] : memref<20x100000xf32, #tpu.memory_space<hbm>> -> memref<20x128xf32, #tpu.memory_space<hbm>>
      tpu.enqueue_dma source(%dma_start3A_296 : memref<20x128xf32, #tpu.memory_space<hbm>>) target(%dma_start3A_294 : memref<20x128xf32, #tpu.memory_space<vmem>>) target_semaphore(%arg13 : memref<!tpu.dma_semaphore, #tpu.memory_space<semaphore_mem>>)
      %slice3A_297 = vector.extract_strided_slice %and3A_45 {offsets = [15], sizes = [1], strides = [1]} : vector<16xi32> to vector<1xi32>
      %squeeze3A_298 = vector.extract %slice3A_297[0] : i32 from vector<1xi32>
      %multiple_of3A_299 = tpu.assume_multiple %squeeze3A_298, 128 : i32
      %mul3A_300 = arith.constant 16 : i32
      %mul3A_301 = arith.muli %add3A_40, %mul3A_300 : i32
      %add3A_302 = arith.constant 15 : i32
      %add3A_303 = arith.addi %mul3A_301, %add3A_302 : i32
      %mul3A_304 = arith.constant 24 : i32
      %mul3A_305 = arith.muli %add3A_303, %mul3A_304 : i32
      %dma_start3A_306 = arith.constant 0 : i32
      %dma_start3A_307 = tpu.memref_slice %arg10[%mul3A_305, %dma_start3A_306] : memref<768x128xf32, #tpu.memory_space<vmem>> -> memref<20x128xf32, #tpu.memory_space<vmem>>
      %dma_start3A_308 = arith.constant 0 : i32
      %dma_start3A_309 = tpu.memref_slice %arg5[%dma_start3A_308, %multiple_of3A_299] : memref<20x100000xf32, #tpu.memory_space<hbm>> -> memref<20x128xf32, #tpu.memory_space<hbm>>
      %dma_start3A_310 = arith.constant 0 : i32
      %dma_start3A_311 = tpu.memref_slice %arg10[%mul3A_305, %dma_start3A_310] : memref<768x128xf32, #tpu.memory_space<vmem>> -> memref<20x128xf32, #tpu.memory_space<vmem>>
      %dma_start3A_312 = arith.constant 0 : i32
      %dma_start3A_313 = tpu.memref_slice %arg5[%dma_start3A_312, %multiple_of3A_299] : memref<20x100000xf32, #tpu.memory_space<hbm>> -> memref<20x128xf32, #tpu.memory_space<hbm>>
      tpu.enqueue_dma source(%dma_start3A_313 : memref<20x128xf32, #tpu.memory_space<hbm>>) target(%dma_start3A_311 : memref<20x128xf32, #tpu.memory_space<vmem>>) target_semaphore(%arg13 : memref<!tpu.dma_semaphore, #tpu.memory_space<semaphore_mem>>)
    }
    %scan3A_25 = arith.constant 2 : i32
    %scan3A_26 = arith.constant 0 : i32
    %scan3A_27 = arith.constant 32 : i32
    %scan3A_28 = arith.addi %scan3A_26, %scan3A_27 : i32
    %scan3A_29 = arith.constant 1 : i32
    scf.for %scan3A_36 = %scan3A_26 to %scan3A_28 step %scan3A_29  : i32 {
      %mul3A_37 = arith.constant 1 : i32
      %mul3A_38 = arith.muli %scan3A_36, %mul3A_37 : i32
      %add3A_39 = arith.constant 0 : i32
      %add3A_40 = arith.addi %add3A_39, %mul3A_38 : i32
      %dma_wait3A = arith.constant 0 : i32
      %dma_wait3A_41 = arith.constant 0 : i32
      %dma_wait3A_42 = tpu.memref_slice %arg10[%dma_wait3A, %dma_wait3A_41] : memref<768x128xf32, #tpu.memory_space<vmem>> -> memref<20x128xf32, #tpu.memory_space<vmem>>
      %dma_wait3A_43 = arith.constant 0 : i32
      %dma_wait3A_44 = arith.constant 0 : i32
      %dma_wait3A_45 = tpu.memref_slice %arg5[%dma_wait3A_43, %dma_wait3A_44] : memref<20x100000xf32, #tpu.memory_space<hbm>> -> memref<20x128xf32, #tpu.memory_space<hbm>>
      %dma_wait3A_46 = arith.constant 0 : i32
      %dma_wait3A_47 = arith.constant 0 : i32
      %dma_wait3A_48 = tpu.memref_slice %arg10[%dma_wait3A_46, %dma_wait3A_47] : memref<768x128xf32, #tpu.memory_space<vmem>> -> memref<20x128xf32, #tpu.memory_space<vmem>>
      %dma_wait3A_49 = arith.constant 0 : i32
      %dma_wait3A_50 = arith.constant 0 : i32
      %dma_wait3A_51 = tpu.memref_slice %arg5[%dma_wait3A_49, %dma_wait3A_50] : memref<20x100000xf32, #tpu.memory_space<hbm>> -> memref<20x128xf32, #tpu.memory_space<hbm>>
      tpu.wait_dma2 semaphore(%arg13 : memref<!tpu.dma_semaphore, #tpu.memory_space<semaphore_mem>>) src(%dma_wait3A_51 : memref<20x128xf32, #tpu.memory_space<hbm>>) dst(%dma_wait3A_48 : memref<20x128xf32, #tpu.memory_space<vmem>>)
    }
    %scan3A_30 = arith.constant 32 : i32
    %scan3A_31 = arith.constant 0 : i32
    %scan3A_32 = arith.constant 2 : i32
    %scan3A_33 = arith.addi %scan3A_31, %scan3A_32 : i32
    %scan3A_34 = arith.constant 1 : i32
    scf.for %scan3A_36 = %scan3A_31 to %scan3A_33 step %scan3A_34  : i32 {
      %mul3A_37 = arith.constant 1 : i32
      %mul3A_38 = arith.muli %scan3A_36, %mul3A_37 : i32
      %add3A_39 = arith.constant 0 : i32
      %add3A_40 = arith.addi %add3A_39, %mul3A_38 : i32
      %mul3A_41 = arith.constant 16 : i32
      %mul3A_42 = arith.muli %add3A_40, %mul3A_41 : i32
      %get3A = arith.index_cast %mul3A_42 : i32 to index
      %get3A_43 = tpu.vector_load %arg9[%get3A] {strides = array<i32>} : memref<32xi32, #tpu.memory_space<vmem>>, vector<16xi32>,
      %and3A = arith.constant 127 : i32
      %and3A_44 = vector.broadcast %and3A : i32 to vector<16xi32>
      %and3A_45 = arith.andi %get3A_43, %and3A_44 : vector<16xi32>
      %mul3A_46 = arith.constant 16 : i32
      %mul3A_47 = arith.muli %add3A_40, %mul3A_46 : i32
      %add3A_48 = vector.broadcast %mul3A_47 : i32 to vector<16xi32>
      %add3A_49 = arith.addi %add3A_48, %iota3A : vector<16xi32>
      %mul3A_50 = arith.constant 16 : i32
      %mul3A_51 = arith.muli %add3A_40, %mul3A_50 : i32
      %mul3A_52 = arith.constant 24 : i32
      %mul3A_53 = arith.muli %mul3A_51, %mul3A_52 : i32
      %add3A_54 = arith.constant 0 : i32
      %add3A_55 = arith.addi %mul3A_53, %add3A_54 : i32
      %add3A_56 = vector.broadcast %add3A_55 : i32 to vector<16xi32>
      %add3A_57 = arith.addi %mul3A_6, %add3A_56 : vector<16xi32>
      %gather3A = tpu.vector_load_idx %arg10[%add3A_57, %and3A_45] : memref<768x128xf32, #tpu.memory_space<vmem>>[vector<16xi32>, vector<16xi32>], vector<16xf32>,
      %broadcast_in_dim3A_58 = arith.constant 0 : i32
      %broadcast_in_dim3A_59 = vector.broadcast %broadcast_in_dim3A_58 : i32 to vector<16xi32>
      tpu.vector_store_idx %arg12[%add3A_49, %broadcast_in_dim3A_59], %gather3A : memref<32x32xf32, #tpu.memory_space<vmem>>[vector<16xi32>, vector<16xi32>], vector<16xf32>,
      %mul3A_60 = arith.constant 16 : i32
      %mul3A_61 = arith.muli %add3A_40, %mul3A_60 : i32
      %mul3A_62 = arith.constant 24 : i32
      %mul3A_63 = arith.muli %mul3A_61, %mul3A_62 : i32
      %add3A_64 = arith.constant 1 : i32
      %add3A_65 = arith.addi %mul3A_63, %add3A_64 : i32
      %add3A_66 = vector.broadcast %add3A_65 : i32 to vector<16xi32>
      %add3A_67 = arith.addi %mul3A_6, %add3A_66 : vector<16xi32>
      %gather3A_68 = tpu.vector_load_idx %arg10[%add3A_67, %and3A_45] : memref<768x128xf32, #tpu.memory_space<vmem>>[vector<16xi32>, vector<16xi32>], vector<16xf32>,
      %broadcast_in_dim3A_69 = arith.constant 1 : i32
      %broadcast_in_dim3A_70 = vector.broadcast %broadcast_in_dim3A_69 : i32 to vector<16xi32>
      tpu.vector_store_idx %arg12[%add3A_49, %broadcast_in_dim3A_70], %gather3A_68 : memref<32x32xf32, #tpu.memory_space<vmem>>[vector<16xi32>, vector<16xi32>], vector<16xf32>,
      %mul3A_71 = arith.constant 16 : i32
      %mul3A_72 = arith.muli %add3A_40, %mul3A_71 : i32
      %mul3A_73 = arith.constant 24 : i32
      %mul3A_74 = arith.muli %mul3A_72, %mul3A_73 : i32
      %add3A_75 = arith.constant 2 : i32
      %add3A_76 = arith.addi %mul3A_74, %add3A_75 : i32
      %add3A_77 = vector.broadcast %add3A_76 : i32 to vector<16xi32>
      %add3A_78 = arith.addi %mul3A_6, %add3A_77 : vector<16xi32>
      %gather3A_79 = tpu.vector_load_idx %arg10[%add3A_78, %and3A_45] : memref<768x128xf32, #tpu.memory_space<vmem>>[vector<16xi32>, vector<16xi32>], vector<16xf32>,
      %broadcast_in_dim3A_80 = arith.constant 2 : i32
      %broadcast_in_dim3A_81 = vector.broadcast %broadcast_in_dim3A_80 : i32 to vector<16xi32>
      tpu.vector_store_idx %arg12[%add3A_49, %broadcast_in_dim3A_81], %gather3A_79 : memref<32x32xf32, #tpu.memory_space<vmem>>[vector<16xi32>, vector<16xi32>], vector<16xf32>,
      %mul3A_82 = arith.constant 16 : i32
      %mul3A_83 = arith.muli %add3A_40, %mul3A_82 : i32
      %mul3A_84 = arith.constant 24 : i32
      %mul3A_85 = arith.muli %mul3A_83, %mul3A_84 : i32
      %add3A_86 = arith.constant 3 : i32
      %add3A_87 = arith.addi %mul3A_85, %add3A_86 : i32
      %add3A_88 = vector.broadcast %add3A_87 : i32 to vector<16xi32>
      %add3A_89 = arith.addi %mul3A_6, %add3A_88 : vector<16xi32>
      %gather3A_90 = tpu.vector_load_idx %arg10[%add3A_89, %and3A_45] : memref<768x128xf32, #tpu.memory_space<vmem>>[vector<16xi32>, vector<16xi32>], vector<16xf32>,
      %broadcast_in_dim3A_91 = arith.constant 3 : i32
      %broadcast_in_dim3A_92 = vector.broadcast %broadcast_in_dim3A_91 : i32 to vector<16xi32>
      tpu.vector_store_idx %arg12[%add3A_49, %broadcast_in_dim3A_92], %gather3A_90 : memref<32x32xf32, #tpu.memory_space<vmem>>[vector<16xi32>, vector<16xi32>], vector<16xf32>,
      %mul3A_93 = arith.constant 16 : i32
      %mul3A_94 = arith.muli %add3A_40, %mul3A_93 : i32
      %mul3A_95 = arith.constant 24 : i32
      %mul3A_96 = arith.muli %mul3A_94, %mul3A_95 : i32
      %add3A_97 = arith.constant 4 : i32
      %add3A_98 = arith.addi %mul3A_96, %add3A_97 : i32
      %add3A_99 = vector.broadcast %add3A_98 : i32 to vector<16xi32>
      %add3A_100 = arith.addi %mul3A_6, %add3A_99 : vector<16xi32>
      %gather3A_101 = tpu.vector_load_idx %arg10[%add3A_100, %and3A_45] : memref<768x128xf32, #tpu.memory_space<vmem>>[vector<16xi32>, vector<16xi32>], vector<16xf32>,
      %broadcast_in_dim3A_102 = arith.constant 4 : i32
      %broadcast_in_dim3A_103 = vector.broadcast %broadcast_in_dim3A_102 : i32 to vector<16xi32>
      tpu.vector_store_idx %arg12[%add3A_49, %broadcast_in_dim3A_103], %gather3A_101 : memref<32x32xf32, #tpu.memory_space<vmem>>[vector<16xi32>, vector<16xi32>], vector<16xf32>,
      %mul3A_104 = arith.constant 16 : i32
      %mul3A_105 = arith.muli %add3A_40, %mul3A_104 : i32
      %mul3A_106 = arith.constant 24 : i32
      %mul3A_107 = arith.muli %mul3A_105, %mul3A_106 : i32
      %add3A_108 = arith.constant 5 : i32
      %add3A_109 = arith.addi %mul3A_107, %add3A_108 : i32
      %add3A_110 = vector.broadcast %add3A_109 : i32 to vector<16xi32>
      %add3A_111 = arith.addi %mul3A_6, %add3A_110 : vector<16xi32>
      %gather3A_112 = tpu.vector_load_idx %arg10[%add3A_111, %and3A_45] : memref<768x128xf32, #tpu.memory_space<vmem>>[vector<16xi32>, vector<16xi32>], vector<16xf32>,
      %broadcast_in_dim3A_113 = arith.constant 5 : i32
      %broadcast_in_dim3A_114 = vector.broadcast %broadcast_in_dim3A_113 : i32 to vector<16xi32>
      tpu.vector_store_idx %arg12[%add3A_49, %broadcast_in_dim3A_114], %gather3A_112 : memref<32x32xf32, #tpu.memory_space<vmem>>[vector<16xi32>, vector<16xi32>], vector<16xf32>,
      %mul3A_115 = arith.constant 16 : i32
      %mul3A_116 = arith.muli %add3A_40, %mul3A_115 : i32
      %mul3A_117 = arith.constant 24 : i32
      %mul3A_118 = arith.muli %mul3A_116, %mul3A_117 : i32
      %add3A_119 = arith.constant 6 : i32
      %add3A_120 = arith.addi %mul3A_118, %add3A_119 : i32
      %add3A_121 = vector.broadcast %add3A_120 : i32 to vector<16xi32>
      %add3A_122 = arith.addi %mul3A_6, %add3A_121 : vector<16xi32>
      %gather3A_123 = tpu.vector_load_idx %arg10[%add3A_122, %and3A_45] : memref<768x128xf32, #tpu.memory_space<vmem>>[vector<16xi32>, vector<16xi32>], vector<16xf32>,
      %broadcast_in_dim3A_124 = arith.constant 6 : i32
      %broadcast_in_dim3A_125 = vector.broadcast %broadcast_in_dim3A_124 : i32 to vector<16xi32>
      tpu.vector_store_idx %arg12[%add3A_49, %broadcast_in_dim3A_125], %gather3A_123 : memref<32x32xf32, #tpu.memory_space<vmem>>[vector<16xi32>, vector<16xi32>], vector<16xf32>,
      %mul3A_126 = arith.constant 16 : i32
      %mul3A_127 = arith.muli %add3A_40, %mul3A_126 : i32
      %mul3A_128 = arith.constant 24 : i32
      %mul3A_129 = arith.muli %mul3A_127, %mul3A_128 : i32
      %add3A_130 = arith.constant 7 : i32
      %add3A_131 = arith.addi %mul3A_129, %add3A_130 : i32
      %add3A_132 = vector.broadcast %add3A_131 : i32 to vector<16xi32>
      %add3A_133 = arith.addi %mul3A_6, %add3A_132 : vector<16xi32>
      %gather3A_134 = tpu.vector_load_idx %arg10[%add3A_133, %and3A_45] : memref<768x128xf32, #tpu.memory_space<vmem>>[vector<16xi32>, vector<16xi32>], vector<16xf32>,
      %broadcast_in_dim3A_135 = arith.constant 7 : i32
      %broadcast_in_dim3A_136 = vector.broadcast %broadcast_in_dim3A_135 : i32 to vector<16xi32>
      tpu.vector_store_idx %arg12[%add3A_49, %broadcast_in_dim3A_136], %gather3A_134 : memref<32x32xf32, #tpu.memory_space<vmem>>[vector<16xi32>, vector<16xi32>], vector<16xf32>,
      %mul3A_137 = arith.constant 16 : i32
      %mul3A_138 = arith.muli %add3A_40, %mul3A_137 : i32
      %mul3A_139 = arith.constant 24 : i32
      %mul3A_140 = arith.muli %mul3A_138, %mul3A_139 : i32
      %add3A_141 = arith.constant 8 : i32
      %add3A_142 = arith.addi %mul3A_140, %add3A_141 : i32
      %add3A_143 = vector.broadcast %add3A_142 : i32 to vector<16xi32>
      %add3A_144 = arith.addi %mul3A_6, %add3A_143 : vector<16xi32>
      %gather3A_145 = tpu.vector_load_idx %arg10[%add3A_144, %and3A_45] : memref<768x128xf32, #tpu.memory_space<vmem>>[vector<16xi32>, vector<16xi32>], vector<16xf32>,
      %broadcast_in_dim3A_146 = arith.constant 8 : i32
      %broadcast_in_dim3A_147 = vector.broadcast %broadcast_in_dim3A_146 : i32 to vector<16xi32>
      tpu.vector_store_idx %arg12[%add3A_49, %broadcast_in_dim3A_147], %gather3A_145 : memref<32x32xf32, #tpu.memory_space<vmem>>[vector<16xi32>, vector<16xi32>], vector<16xf32>,
      %mul3A_148 = arith.constant 16 : i32
      %mul3A_149 = arith.muli %add3A_40, %mul3A_148 : i32
      %mul3A_150 = arith.constant 24 : i32
      %mul3A_151 = arith.muli %mul3A_149, %mul3A_150 : i32
      %add3A_152 = arith.constant 9 : i32
      %add3A_153 = arith.addi %mul3A_151, %add3A_152 : i32
      %add3A_154 = vector.broadcast %add3A_153 : i32 to vector<16xi32>
      %add3A_155 = arith.addi %mul3A_6, %add3A_154 : vector<16xi32>
      %gather3A_156 = tpu.vector_load_idx %arg10[%add3A_155, %and3A_45] : memref<768x128xf32, #tpu.memory_space<vmem>>[vector<16xi32>, vector<16xi32>], vector<16xf32>,
      %broadcast_in_dim3A_157 = arith.constant 9 : i32
      %broadcast_in_dim3A_158 = vector.broadcast %broadcast_in_dim3A_157 : i32 to vector<16xi32>
      tpu.vector_store_idx %arg12[%add3A_49, %broadcast_in_dim3A_158], %gather3A_156 : memref<32x32xf32, #tpu.memory_space<vmem>>[vector<16xi32>, vector<16xi32>], vector<16xf32>,
      %mul3A_159 = arith.constant 16 : i32
      %mul3A_160 = arith.muli %add3A_40, %mul3A_159 : i32
      %mul3A_161 = arith.constant 24 : i32
      %mul3A_162 = arith.muli %mul3A_160, %mul3A_161 : i32
      %add3A_163 = arith.constant 10 : i32
      %add3A_164 = arith.addi %mul3A_162, %add3A_163 : i32
      %add3A_165 = vector.broadcast %add3A_164 : i32 to vector<16xi32>
      %add3A_166 = arith.addi %mul3A_6, %add3A_165 : vector<16xi32>
      %gather3A_167 = tpu.vector_load_idx %arg10[%add3A_166, %and3A_45] : memref<768x128xf32, #tpu.memory_space<vmem>>[vector<16xi32>, vector<16xi32>], vector<16xf32>,
      %broadcast_in_dim3A_168 = arith.constant 10 : i32
      %broadcast_in_dim3A_169 = vector.broadcast %broadcast_in_dim3A_168 : i32 to vector<16xi32>
      tpu.vector_store_idx %arg12[%add3A_49, %broadcast_in_dim3A_169], %gather3A_167 : memref<32x32xf32, #tpu.memory_space<vmem>>[vector<16xi32>, vector<16xi32>], vector<16xf32>,
      %mul3A_170 = arith.constant 16 : i32
      %mul3A_171 = arith.muli %add3A_40, %mul3A_170 : i32
      %mul3A_172 = arith.constant 24 : i32
      %mul3A_173 = arith.muli %mul3A_171, %mul3A_172 : i32
      %add3A_174 = arith.constant 11 : i32
      %add3A_175 = arith.addi %mul3A_173, %add3A_174 : i32
      %add3A_176 = vector.broadcast %add3A_175 : i32 to vector<16xi32>
      %add3A_177 = arith.addi %mul3A_6, %add3A_176 : vector<16xi32>
      %gather3A_178 = tpu.vector_load_idx %arg10[%add3A_177, %and3A_45] : memref<768x128xf32, #tpu.memory_space<vmem>>[vector<16xi32>, vector<16xi32>], vector<16xf32>,
      %broadcast_in_dim3A_179 = arith.constant 11 : i32
      %broadcast_in_dim3A_180 = vector.broadcast %broadcast_in_dim3A_179 : i32 to vector<16xi32>
      tpu.vector_store_idx %arg12[%add3A_49, %broadcast_in_dim3A_180], %gather3A_178 : memref<32x32xf32, #tpu.memory_space<vmem>>[vector<16xi32>, vector<16xi32>], vector<16xf32>,
      %mul3A_181 = arith.constant 16 : i32
      %mul3A_182 = arith.muli %add3A_40, %mul3A_181 : i32
      %mul3A_183 = arith.constant 24 : i32
      %mul3A_184 = arith.muli %mul3A_182, %mul3A_183 : i32
      %add3A_185 = arith.constant 12 : i32
      %add3A_186 = arith.addi %mul3A_184, %add3A_185 : i32
      %add3A_187 = vector.broadcast %add3A_186 : i32 to vector<16xi32>
      %add3A_188 = arith.addi %mul3A_6, %add3A_187 : vector<16xi32>
      %gather3A_189 = tpu.vector_load_idx %arg10[%add3A_188, %and3A_45] : memref<768x128xf32, #tpu.memory_space<vmem>>[vector<16xi32>, vector<16xi32>], vector<16xf32>,
      %broadcast_in_dim3A_190 = arith.constant 12 : i32
      %broadcast_in_dim3A_191 = vector.broadcast %broadcast_in_dim3A_190 : i32 to vector<16xi32>
      tpu.vector_store_idx %arg12[%add3A_49, %broadcast_in_dim3A_191], %gather3A_189 : memref<32x32xf32, #tpu.memory_space<vmem>>[vector<16xi32>, vector<16xi32>], vector<16xf32>,
      %mul3A_192 = arith.constant 16 : i32
      %mul3A_193 = arith.muli %add3A_40, %mul3A_192 : i32
      %mul3A_194 = arith.constant 24 : i32
      %mul3A_195 = arith.muli %mul3A_193, %mul3A_194 : i32
      %add3A_196 = arith.constant 13 : i32
      %add3A_197 = arith.addi %mul3A_195, %add3A_196 : i32
      %add3A_198 = vector.broadcast %add3A_197 : i32 to vector<16xi32>
      %add3A_199 = arith.addi %mul3A_6, %add3A_198 : vector<16xi32>
      %gather3A_200 = tpu.vector_load_idx %arg10[%add3A_199, %and3A_45] : memref<768x128xf32, #tpu.memory_space<vmem>>[vector<16xi32>, vector<16xi32>], vector<16xf32>,
      %broadcast_in_dim3A_201 = arith.constant 13 : i32
      %broadcast_in_dim3A_202 = vector.broadcast %broadcast_in_dim3A_201 : i32 to vector<16xi32>
      tpu.vector_store_idx %arg12[%add3A_49, %broadcast_in_dim3A_202], %gather3A_200 : memref<32x32xf32, #tpu.memory_space<vmem>>[vector<16xi32>, vector<16xi32>], vector<16xf32>,
      %mul3A_203 = arith.constant 16 : i32
      %mul3A_204 = arith.muli %add3A_40, %mul3A_203 : i32
      %mul3A_205 = arith.constant 24 : i32
      %mul3A_206 = arith.muli %mul3A_204, %mul3A_205 : i32
      %add3A_207 = arith.constant 14 : i32
      %add3A_208 = arith.addi %mul3A_206, %add3A_207 : i32
      %add3A_209 = vector.broadcast %add3A_208 : i32 to vector<16xi32>
      %add3A_210 = arith.addi %mul3A_6, %add3A_209 : vector<16xi32>
      %gather3A_211 = tpu.vector_load_idx %arg10[%add3A_210, %and3A_45] : memref<768x128xf32, #tpu.memory_space<vmem>>[vector<16xi32>, vector<16xi32>], vector<16xf32>,
      %broadcast_in_dim3A_212 = arith.constant 14 : i32
      %broadcast_in_dim3A_213 = vector.broadcast %broadcast_in_dim3A_212 : i32 to vector<16xi32>
      tpu.vector_store_idx %arg12[%add3A_49, %broadcast_in_dim3A_213], %gather3A_211 : memref<32x32xf32, #tpu.memory_space<vmem>>[vector<16xi32>, vector<16xi32>], vector<16xf32>,
      %mul3A_214 = arith.constant 16 : i32
      %mul3A_215 = arith.muli %add3A_40, %mul3A_214 : i32
      %mul3A_216 = arith.constant 24 : i32
      %mul3A_217 = arith.muli %mul3A_215, %mul3A_216 : i32
      %add3A_218 = arith.constant 15 : i32
      %add3A_219 = arith.addi %mul3A_217, %add3A_218 : i32
      %add3A_220 = vector.broadcast %add3A_219 : i32 to vector<16xi32>
      %add3A_221 = arith.addi %mul3A_6, %add3A_220 : vector<16xi32>
      %gather3A_222 = tpu.vector_load_idx %arg10[%add3A_221, %and3A_45] : memref<768x128xf32, #tpu.memory_space<vmem>>[vector<16xi32>, vector<16xi32>], vector<16xf32>,
      %broadcast_in_dim3A_223 = arith.constant 15 : i32
      %broadcast_in_dim3A_224 = vector.broadcast %broadcast_in_dim3A_223 : i32 to vector<16xi32>
      tpu.vector_store_idx %arg12[%add3A_49, %broadcast_in_dim3A_224], %gather3A_222 : memref<32x32xf32, #tpu.memory_space<vmem>>[vector<16xi32>, vector<16xi32>], vector<16xf32>,
      %mul3A_225 = arith.constant 16 : i32
      %mul3A_226 = arith.muli %add3A_40, %mul3A_225 : i32
      %mul3A_227 = arith.constant 24 : i32
      %mul3A_228 = arith.muli %mul3A_226, %mul3A_227 : i32
      %add3A_229 = arith.constant 16 : i32
      %add3A_230 = arith.addi %mul3A_228, %add3A_229 : i32
      %add3A_231 = vector.broadcast %add3A_230 : i32 to vector<16xi32>
      %add3A_232 = arith.addi %mul3A_6, %add3A_231 : vector<16xi32>
      %gather3A_233 = tpu.vector_load_idx %arg10[%add3A_232, %and3A_45] : memref<768x128xf32, #tpu.memory_space<vmem>>[vector<16xi32>, vector<16xi32>], vector<16xf32>,
      %broadcast_in_dim3A_234 = arith.constant 16 : i32
      %broadcast_in_dim3A_235 = vector.broadcast %broadcast_in_dim3A_234 : i32 to vector<16xi32>
      tpu.vector_store_idx %arg12[%add3A_49, %broadcast_in_dim3A_235], %gather3A_233 : memref<32x32xf32, #tpu.memory_space<vmem>>[vector<16xi32>, vector<16xi32>], vector<16xf32>,
      %mul3A_236 = arith.constant 16 : i32
      %mul3A_237 = arith.muli %add3A_40, %mul3A_236 : i32
      %mul3A_238 = arith.constant 24 : i32
      %mul3A_239 = arith.muli %mul3A_237, %mul3A_238 : i32
      %add3A_240 = arith.constant 17 : i32
      %add3A_241 = arith.addi %mul3A_239, %add3A_240 : i32
      %add3A_242 = vector.broadcast %add3A_241 : i32 to vector<16xi32>
      %add3A_243 = arith.addi %mul3A_6, %add3A_242 : vector<16xi32>
      %gather3A_244 = tpu.vector_load_idx %arg10[%add3A_243, %and3A_45] : memref<768x128xf32, #tpu.memory_space<vmem>>[vector<16xi32>, vector<16xi32>], vector<16xf32>,
      %broadcast_in_dim3A_245 = arith.constant 17 : i32
      %broadcast_in_dim3A_246 = vector.broadcast %broadcast_in_dim3A_245 : i32 to vector<16xi32>
      tpu.vector_store_idx %arg12[%add3A_49, %broadcast_in_dim3A_246], %gather3A_244 : memref<32x32xf32, #tpu.memory_space<vmem>>[vector<16xi32>, vector<16xi32>], vector<16xf32>,
      %mul3A_247 = arith.constant 16 : i32
      %mul3A_248 = arith.muli %add3A_40, %mul3A_247 : i32
      %mul3A_249 = arith.constant 24 : i32
      %mul3A_250 = arith.muli %mul3A_248, %mul3A_249 : i32
      %add3A_251 = arith.constant 18 : i32
      %add3A_252 = arith.addi %mul3A_250, %add3A_251 : i32
      %add3A_253 = vector.broadcast %add3A_252 : i32 to vector<16xi32>
      %add3A_254 = arith.addi %mul3A_6, %add3A_253 : vector<16xi32>
      %gather3A_255 = tpu.vector_load_idx %arg10[%add3A_254, %and3A_45] : memref<768x128xf32, #tpu.memory_space<vmem>>[vector<16xi32>, vector<16xi32>], vector<16xf32>,
      %broadcast_in_dim3A_256 = arith.constant 18 : i32
      %broadcast_in_dim3A_257 = vector.broadcast %broadcast_in_dim3A_256 : i32 to vector<16xi32>
      tpu.vector_store_idx %arg12[%add3A_49, %broadcast_in_dim3A_257], %gather3A_255 : memref<32x32xf32, #tpu.memory_space<vmem>>[vector<16xi32>, vector<16xi32>], vector<16xf32>,
      %mul3A_258 = arith.constant 16 : i32
      %mul3A_259 = arith.muli %add3A_40, %mul3A_258 : i32
      %mul3A_260 = arith.constant 24 : i32
      %mul3A_261 = arith.muli %mul3A_259, %mul3A_260 : i32
      %add3A_262 = arith.constant 19 : i32
      %add3A_263 = arith.addi %mul3A_261, %add3A_262 : i32
      %add3A_264 = vector.broadcast %add3A_263 : i32 to vector<16xi32>
      %add3A_265 = arith.addi %mul3A_6, %add3A_264 : vector<16xi32>
      %gather3A_266 = tpu.vector_load_idx %arg10[%add3A_265, %and3A_45] : memref<768x128xf32, #tpu.memory_space<vmem>>[vector<16xi32>, vector<16xi32>], vector<16xf32>,
      %broadcast_in_dim3A_267 = arith.constant 19 : i32
      %broadcast_in_dim3A_268 = vector.broadcast %broadcast_in_dim3A_267 : i32 to vector<16xi32>
      tpu.vector_store_idx %arg12[%add3A_49, %broadcast_in_dim3A_268], %gather3A_266 : memref<32x32xf32, #tpu.memory_space<vmem>>[vector<16xi32>, vector<16xi32>], vector<16xf32>,
      %broadcast_in_dim3A_269 = arith.constant 20 : i32
      %broadcast_in_dim3A_270 = vector.broadcast %broadcast_in_dim3A_269 : i32 to vector<16xi32>
      tpu.vector_store_idx %arg12[%add3A_49, %broadcast_in_dim3A_270], %broadcast_in_dim3A_3 : memref<32x32xf32, #tpu.memory_space<vmem>>[vector<16xi32>, vector<16xi32>], vector<16xf32>,
      %broadcast_in_dim3A_271 = arith.constant 21 : i32
      %broadcast_in_dim3A_272 = vector.broadcast %broadcast_in_dim3A_271 : i32 to vector<16xi32>
      tpu.vector_store_idx %arg12[%add3A_49, %broadcast_in_dim3A_272], %broadcast_in_dim3A_3 : memref<32x32xf32, #tpu.memory_space<vmem>>[vector<16xi32>, vector<16xi32>], vector<16xf32>,
      %broadcast_in_dim3A_273 = arith.constant 22 : i32
      %broadcast_in_dim3A_274 = vector.broadcast %broadcast_in_dim3A_273 : i32 to vector<16xi32>
      tpu.vector_store_idx %arg12[%add3A_49, %broadcast_in_dim3A_274], %broadcast_in_dim3A_3 : memref<32x32xf32, #tpu.memory_space<vmem>>[vector<16xi32>, vector<16xi32>], vector<16xf32>,
      %broadcast_in_dim3A_275 = arith.constant 23 : i32
      %broadcast_in_dim3A_276 = vector.broadcast %broadcast_in_dim3A_275 : i32 to vector<16xi32>
      tpu.vector_store_idx %arg12[%add3A_49, %broadcast_in_dim3A_276], %broadcast_in_dim3A_3 : memref<32x32xf32, #tpu.memory_space<vmem>>[vector<16xi32>, vector<16xi32>], vector<16xf32>,
      %broadcast_in_dim3A_277 = arith.constant 24 : i32
      %broadcast_in_dim3A_278 = vector.broadcast %broadcast_in_dim3A_277 : i32 to vector<16xi32>
      tpu.vector_store_idx %arg12[%add3A_49, %broadcast_in_dim3A_278], %broadcast_in_dim3A_3 : memref<32x32xf32, #tpu.memory_space<vmem>>[vector<16xi32>, vector<16xi32>], vector<16xf32>,
      %broadcast_in_dim3A_279 = arith.constant 25 : i32
      %broadcast_in_dim3A_280 = vector.broadcast %broadcast_in_dim3A_279 : i32 to vector<16xi32>
      tpu.vector_store_idx %arg12[%add3A_49, %broadcast_in_dim3A_280], %broadcast_in_dim3A_3 : memref<32x32xf32, #tpu.memory_space<vmem>>[vector<16xi32>, vector<16xi32>], vector<16xf32>,
      %broadcast_in_dim3A_281 = arith.constant 26 : i32
      %broadcast_in_dim3A_282 = vector.broadcast %broadcast_in_dim3A_281 : i32 to vector<16xi32>
      tpu.vector_store_idx %arg12[%add3A_49, %broadcast_in_dim3A_282], %broadcast_in_dim3A_3 : memref<32x32xf32, #tpu.memory_space<vmem>>[vector<16xi32>, vector<16xi32>], vector<16xf32>,
      %broadcast_in_dim3A_283 = arith.constant 27 : i32
      %broadcast_in_dim3A_284 = vector.broadcast %broadcast_in_dim3A_283 : i32 to vector<16xi32>
      tpu.vector_store_idx %arg12[%add3A_49, %broadcast_in_dim3A_284], %broadcast_in_dim3A_3 : memref<32x32xf32, #tpu.memory_space<vmem>>[vector<16xi32>, vector<16xi32>], vector<16xf32>,
      %broadcast_in_dim3A_285 = arith.constant 28 : i32
      %broadcast_in_dim3A_286 = vector.broadcast %broadcast_in_dim3A_285 : i32 to vector<16xi32>
      tpu.vector_store_idx %arg12[%add3A_49, %broadcast_in_dim3A_286], %broadcast_in_dim3A_3 : memref<32x32xf32, #tpu.memory_space<vmem>>[vector<16xi32>, vector<16xi32>], vector<16xf32>,
      %broadcast_in_dim3A_287 = arith.constant 29 : i32
      %broadcast_in_dim3A_288 = vector.broadcast %broadcast_in_dim3A_287 : i32 to vector<16xi32>
      tpu.vector_store_idx %arg12[%add3A_49, %broadcast_in_dim3A_288], %broadcast_in_dim3A_3 : memref<32x32xf32, #tpu.memory_space<vmem>>[vector<16xi32>, vector<16xi32>], vector<16xf32>,
      %broadcast_in_dim3A_289 = arith.constant 30 : i32
      %broadcast_in_dim3A_290 = vector.broadcast %broadcast_in_dim3A_289 : i32 to vector<16xi32>
      tpu.vector_store_idx %arg12[%add3A_49, %broadcast_in_dim3A_290], %broadcast_in_dim3A_3 : memref<32x32xf32, #tpu.memory_space<vmem>>[vector<16xi32>, vector<16xi32>], vector<16xf32>,
      %broadcast_in_dim3A_291 = arith.constant 31 : i32
      %broadcast_in_dim3A_292 = vector.broadcast %broadcast_in_dim3A_291 : i32 to vector<16xi32>
      tpu.vector_store_idx %arg12[%add3A_49, %broadcast_in_dim3A_292], %broadcast_in_dim3A_3 : memref<32x32xf32, #tpu.memory_space<vmem>>[vector<16xi32>, vector<16xi32>], vector<16xf32>,
    }
    %scan3A_35 = arith.constant 2 : i32
    "tpu.region"() ({
      %run_scoped3A = tpu.sem_alloc : memref<!tpu.dma_semaphore, #tpu.memory_space<semaphore_mem>>
      %dma_start3A = arith.constant 0 : i32
      %dma_start3A_36 = tpu.memref_slice %arg7[%mul3A_2, %dma_start3A] : memref<1024x32xf32, #tpu.memory_space<hbm>> -> memref<32x32xf32, #tpu.memory_space<hbm>>
      %dma_start3A_37 = arith.constant 0 : i32
      %dma_start3A_38 = tpu.memref_slice %arg7[%mul3A_2, %dma_start3A_37] : memref<1024x32xf32, #tpu.memory_space<hbm>> -> memref<32x32xf32, #tpu.memory_space<hbm>>
      tpu.enqueue_dma source(%arg12 : memref<32x32xf32, #tpu.memory_space<vmem>>) target(%dma_start3A_38 : memref<32x32xf32, #tpu.memory_space<hbm>>) target_semaphore(%run_scoped3A : memref<!tpu.dma_semaphore, #tpu.memory_space<semaphore_mem>>)
      %dma_wait3A = arith.constant 0 : i32
      %dma_wait3A_39 = tpu.memref_slice %arg7[%mul3A_2, %dma_wait3A] : memref<1024x32xf32, #tpu.memory_space<hbm>> -> memref<32x32xf32, #tpu.memory_space<hbm>>
      %dma_wait3A_40 = arith.constant 0 : i32
      %dma_wait3A_41 = tpu.memref_slice %arg7[%mul3A_2, %dma_wait3A_40] : memref<1024x32xf32, #tpu.memory_space<hbm>> -> memref<32x32xf32, #tpu.memory_space<hbm>>
      tpu.wait_dma2 semaphore(%run_scoped3A : memref<!tpu.dma_semaphore, #tpu.memory_space<semaphore_mem>>) src(%arg12 : memref<32x32xf32, #tpu.memory_space<vmem>>) dst(%dma_wait3A_41 : memref<32x32xf32, #tpu.memory_space<hbm>>)
      tpu.yield
    }) : () -> ()
    return
  }
}

module attributes {stable_mosaic.version = 14 : i64} {
  func.func @_mm_body(%arg0: i32, %arg1: memref<1024x32xf32, #tpu.memory_space<vmem>>, %arg2: memref<1024x32xf32, #tpu.memory_space<vmem>>, %arg3: memref<1024x1024xf32, #tpu.memory_space<vmem>>) attributes {dimension_semantics = [#tpu.dimension_semantics<arbitrary>], iteration_bounds = array<i64: 1>, scalar_prefetch = 0 : i64, scratch_operands = 0 : i64, tpu.core_type = #tpu.core_type<tc>, window_params = [{transform_indices = @transform_0, window_bounds = array<i64: 1024, 32>}, {pipeline_mode = #tpu.pipeline_mode<synchronous>, transform_indices = @transform_1, window_bounds = array<i64: 1024, 32>}, {transform_indices = @transform_2, window_bounds = array<i64: 1024, 1024>}]} {
    %get3A = arith.constant 0 : index
    %get3A_0 = arith.constant 0 : index
    %get3A_1 = vector.load %arg1[%get3A, %get3A_0] : memref<1024x32xf32, #tpu.memory_space<vmem>>, vector<1024x32xf32>
    %get3A_2 = arith.constant 0 : index
    %get3A_3 = arith.constant 0 : index
    %get3A_4 = vector.load %arg2[%get3A_2, %get3A_3] : memref<1024x32xf32, #tpu.memory_space<vmem>>, vector<1024x32xf32>
    %dot_general3A = arith.constant dense<0.000000e+00> : vector<1024x1024xf32>
    %dot_general3A_5 = tpu.matmul %get3A_1, %get3A_4, %dot_general3A {dimension_numbers = #tpu.dot_dimension_numbers<[1], [1], [0], [0], [0, 0, 1, 0], [], []>, transpose_lhs_hint = false} : vector<1024x32xf32>, vector<1024x32xf32>, vector<1024x1024xf32> -> vector<1024x1024xf32>
    %swap3A = arith.constant 0 : index
    %swap3A_6 = arith.constant 0 : index
    %swap3A_7 = vector.load %arg3[%swap3A, %swap3A_6] : memref<1024x1024xf32, #tpu.memory_space<vmem>>, vector<1024x1024xf32>
    tpu.vector_store %arg3[%swap3A, %swap3A_6], %dot_general3A_5 {strides = array<i32>} : memref<1024x1024xf32, #tpu.memory_space<vmem>>, vector<1024x1024xf32>,
    return
  }
  func.func @transform_0(%arg0: i32) -> (i32, i32) {
    %c0_i32 = arith.constant 0 : i32
    %c0_i32_0 = arith.constant 0 : i32
    return %arg0, %c0_i32 : i32, i32
  }
  func.func @transform_1(%arg0: i32) -> (i32, i32) {
    %c0_i32 = arith.constant 0 : i32
    %c0_i32_0 = arith.constant 0 : i32
    %c0_i32_1 = arith.constant 0 : i32
    return %c0_i32, %c0_i32_0 : i32, i32
  }
  func.func @transform_2(%arg0: i32) -> (i32, i32) {
    %c0_i32 = arith.constant 0 : i32
    %c0_i32_0 = arith.constant 0 : i32
    return %arg0, %c0_i32 : i32, i32
  }
}

</mosaic_0001>

<sc_bundles>
// kernel: kernel.4.cloned.1.call-start
scs
__scs_entry_jumppad:
0x0: {  	(pc) =	sbr.rel $0x88, $3  }
0x1: {  	(tag) =	ssettag $0x0;
	lr =	simm.s32 $0x1  }
0x2: {  	[smem:$0x3F9D] =	sst lr;
	_ =	strace $0xD0000000  }
0x3: {  	_ = 	snop  }
0x4: {  	_ = 	snop  }
0x5: {  	_ = 	snop  }
0x6: {  	_ = 	snop  }
0x7: {  	_ = 	snop  }
__scs_overlays_trampoline_lowered:
0x8: {  	[smem:$0x3FAC] =	sst s0  }
0x9: {  	[smem:$0x3FAD] =	sst s1  }
0xa: {  	[smem:$0x3FAE] =	sst s2  }
0xb: {  	[smem:$0x3FAF] =	sst s3  }
0xc: {  	[smem:$0x3FB0] =	sst s4  }
0xd: {  	[smem:$0x3FB1] =	sst s5  }
0xe: {  	[smem:$0x3FB2] =	sst s6  }
0xf: {  	[smem:$0x3FB3] =	sst s7  }
0x10: {  	[smem:$0x3FB4] =	sst s8  }
0x11: {  	[smem:$0x3FB5] =	sst s9;
	s0 =	simm.s32 @!p0 $0x0  }
0x12: {  	s1 =	sld [smem:$0x3F9B];
	s0 =	simm.s32 @p0 $0x1  }
0x13: {  	[smem:$0x3FB6] =	sst s0;
	s0 =	simm.s32 @!p1 $0x0  }
0x14: {  	s2 =	sld [smem:$0x3F9A];
	s0 =	simm.s32 @p1 $0x1  }
0x15: {  	[smem:$0x3FB7] =	sst s0;
	s0 =	simm.s32 @!p2 $0x0  }
0x16: {  	s3 =	sld [smem:$0x3FDB];
	s0 =	simm.s32 @p2 $0x1  }
0x17: {  	s4 =	simm.s32 $0x1BF5;
	[smem:$0x3FB9] =	sst s0  }
0x18: {  	s0 =	sld [smem:$0x3F9C];
	_ =	swait.ge [sflag:s4], $0x0  }
0x19: {  	s7 =	sld [smem:$0x3F9D]  }
0x1a: {  	s8 =	sadd.s32 $0xFFFFE003, lr  }
0x1b: {  	s9 =	sadd.s32 $0xFFFFFEF7, lr;
	s5 =	simm.s32 $0xFFFFFFFF;
	p2 =	slt.u32 s8, $0xFFFFF086  }
0x1c: {  	p1 =	slt.u32 s9, $0xF7A;
	s5 =	simm.s32 @!p2 $0x0  }
0x1d: {  	s5 =	simm.s32 @p1 $0x1;
	p0 =	seq.s32 s7, s2  }
0x1e: {  	s7 =	smul.u32 @!p0 $0xF7A, s2;
	p2 =	seq.s32 @!p0 s5, $0x0  }
0x1f: {  	s9 =	smul.u32 $0xF7A, s1;
	s8 =	simm.s32 @!p0 $0x1BF5;
	p2 =	por !p2, p0  }
0x20: {  	[sflag:s8] =	ssyncset.s32 @!p0 $0xFFFFF086;
	s6 =	sadd.s32 @!p0 s3, s7;
	s7 =	simm.s32 @!p0 $0x108  }
0x21: {  	s3 =	sadd.s32 s3, s9;
	s6 =	sadd.s32 @!p0 $0x88, s6;
	s7 =	simm.s32 @p2 $0x1082  }
0x22: {  	[simem:s7], [sflag:s8] =	dma.local @!p0 [hbm:s6], $0xF7A  }
0x23: {  	s9 =	sor.u32 $0xD0000000, s2;
	s6 =	simm.s32 $0x108;
	_ =	swait.ge @!p0 [sflag:s8], $0x0  }
0x24: {  	s3 =	sadd.s32 $0x88, s3;
	s6 =	simm.s32 @!p1 $0x1082;
	[sflag:s4] =	ssyncset.s32 $0xFFFFF086  }
0x25: {  	[simem:s6], [sflag:s4] =	dma.local [hbm:s3], $0xF7A  }
0x26: {  	[smem:$0x3F9D] =	sst s1;
	(tag) =	ssettag s2;
	_ =	strace s9  }
0x27: {  	s1 =	sld [smem:$0x3FAD]  }
0x28: {  	s2 =	sld [smem:$0x3FAE]  }
0x29: {  	s4 =	sld [smem:$0x3FB0]  }
0x2a: {  	p0 =	seq.s32 s5, $0x0;
	s5 =	sld [smem:$0x3FB1]  }
0x2b: {  	s6 =	sld [smem:$0x3FB2]  }
0x2c: {  	s7 =	sld [smem:$0x3FB3]  }
0x2d: {  	s3 =	simm.s32 $0x108;
	s8 =	sld [smem:$0x3FB4]  }
0x2e: {  	s3 =	simm.s32 @!p0 $0x1082;
	s9 =	sld [smem:$0x3FB5]  }
0x2f: {  	lr =	sadd.s32 s0, s3;
	s0 =	sld [smem:$0x3FAC]  }
0x30: {  	s3 =	sld [smem:$0x3FAF]  }
0x31: {  	[smem:$0x3FB8] =	sst s10  }
0x32: {  	s10 =	sld [smem:$0x3FB6];
	_ =	sdelay $0x3  }
0x33: {  	p0 =	seq.s32 s10, $0x1;
	s10 =	sld [smem:$0x3FB8];
	_ =	sdelay $0x3  }
0x34: {  	[smem:$0x3FB8] =	sst s10  }
0x35: {  	s10 =	sld [smem:$0x3FB7];
	_ =	sdelay $0x3  }
0x36: {  	p1 =	seq.s32 s10, $0x1;
	s10 =	sld [smem:$0x3FB8];
	_ =	sdelay $0x3  }
0x37: {  	[smem:$0x3FB8] =	sst s10  }
0x38: {  	s10 =	sld [smem:$0x3FB9]  }
0x39: {  	_ = 	snop;
	(pc) =	sbr.ind lr, $3  }
0x3a: {  	_ = 	snop  }
0x3b: {  	_ = 	snop  }
0x3c: {  	p2 =	seq.s32 s10, $0x1;
	s10 =	sld [smem:$0x3FB8]  }
0x3d: {  	_ =	shalt  }
0x3e: {  	_ =	shalt  }
0x3f: {  	_ =	shalt  }
0x40: {  	_ =	shalt  }
0x41: {  	_ =	shalt  }
0x42: {  	_ =	shalt  }
0x43: {  	_ =	shalt  }
0x44: {  	_ =	shalt  }
0x45: {  	_ =	shalt  }
0x46: {  	_ =	shalt  }
0x47: {  	_ =	shalt  }
0x48: {  	_ =	shalt  }
0x49: {  	_ =	shalt  }
0x4a: {  	_ =	shalt  }
0x4b: {  	_ =	shalt  }
0x4c: {  	_ =	shalt  }
0x4d: {  	_ =	shalt  }
0x4e: {  	_ =	shalt  }
0x4f: {  	_ =	shalt  }
0x50: {  	_ =	shalt  }
0x51: {  	_ =	shalt  }
0x52: {  	_ =	shalt  }
0x53: {  	_ =	shalt  }
0x54: {  	_ =	shalt  }
0x55: {  	_ =	shalt  }
0x56: {  	_ =	shalt  }
0x57: {  	_ =	shalt  }
0x58: {  	_ =	shalt  }
0x59: {  	_ =	shalt  }
0x5a: {  	_ =	shalt  }
0x5b: {  	_ =	shalt  }
0x5c: {  	_ =	shalt  }
0x5d: {  	_ =	shalt  }
0x5e: {  	_ =	shalt  }
0x5f: {  	_ =	shalt  }
0x60: {  	_ =	shalt  }
0x61: {  	_ =	shalt  }
0x62: {  	_ =	shalt  }
0x63: {  	_ =	shalt  }
0x64: {  	_ =	shalt  }
0x65: {  	_ =	shalt  }
0x66: {  	_ =	shalt  }
0x67: {  	_ =	shalt  }
0x68: {  	_ =	shalt  }
0x69: {  	_ =	shalt  }
0x6a: {  	_ =	shalt  }
0x6b: {  	_ =	shalt  }
0x6c: {  	_ =	shalt  }
0x6d: {  	_ =	shalt  }
0x6e: {  	_ =	shalt  }
0x6f: {  	_ =	shalt  }
0x70: {  	_ =	shalt  }
0x71: {  	_ =	shalt  }
0x72: {  	_ =	shalt  }
0x73: {  	_ =	shalt  }
0x74: {  	_ =	shalt  }
0x75: {  	_ =	shalt  }
0x76: {  	_ =	shalt  }
0x77: {  	_ =	shalt  }
0x78: {  	_ =	shalt  }
0x79: {  	_ =	shalt  }
0x7a: {  	_ =	shalt  }
0x7b: {  	_ =	shalt  }
0x7c: {  	_ =	shalt  }
0x7d: {  	_ =	shalt  }
0x7e: {  	_ =	shalt  }
0x7f: {  	_ =	shalt  }
0x80: {  	_ =	shalt  }
0x81: {  	_ =	shalt  }
0x82: {  	_ =	shalt  }
0x83: {  	_ =	shalt  }
0x84: {  	_ =	shalt  }
0x85: {  	_ =	shalt  }
0x86: {  	_ =	shalt  }
0x87: {  	_ =	shalt  }
.Lfunc_end0:
.L_simem_size_0:
called_computation_lowered:
.L_overlay_start_0:
0x88: {  	s2 =	sld [smem:$0x3FD9]  }
0x89: {  	s3 =	sld [smem:$0x3FFE];
	_ =	sdelay $0x1  }
0x8a: {  	s1 =	srdreg.scid  }
0x8b: {  	s0 =	sand.u32 $0x1, s1  }
0x8c: {  	s17 =	sshll.u32 s0, $0xA;
	s2 =	sadd.s32 s3, s2  }
0x8d: {  	s2 =	sadd.s32 s2, s17  }
0x8e: {  	[smem:$0x3FC4] =	sst s2  }
0x8f: {  	_ = 	snop  }
0x90: {  	s2 =	sld [smem:$0x3FC9]  }
0x91: {  	s18 =	sld [smem:$0x3FC8]  }
0x92: {  	s4 =	sld [smem:$0x3FC7]  }
0x93: {  	s5 =	sld [smem:$0x3FC6]  }
0x94: {  	s6 =	sld [smem:$0x3FD0];
	(tm) =	ssettm $0x1  }
0x95: {  	s7 =	sld [smem:$0x3FFB];
	_ =	sdelay $0x3  }
0x96: {  	_ =	strace s7  }
0x97: {  	s7 =	sld [smem:$0x3FFC];
	_ =	sdelay $0x3  }
0x98: {  	_ =	strace s7  }
0x99: {  	s7 =	sld [smem:$0x3FFD];
	_ =	sdelay $0x3  }
0x9a: {  	_ =	strace s7  }
0x9b: {  	_ =	strace $0x8FFFFFFF  }
0x9c: {  	s19 =	sld [smem:$0x3FDB];
	_ =	sdelay $0x1  }
0x9d: {  	s8 =	simm.s32 $_scs_section_size  }
0x9e: {  	s9 =	simm.s32 $_size__tile_overlayer_lowered;
	s10 =	simm.s32 $_tile_overlayer_lowered  }
0x9f: {  	s22 =	simm.s32 $0x1BFF;
	s21 =	sshll.u32 s10, $0x1;
	s7 =	sadd.s32 s8, s19  }
0xa0: {  	s11 =	simm.s32 $0x0;
	s20 =	sshll.u32 s9, $0x1;
	s9 =	sadd.s32 s21, s7  }
0xa1: {  	[timem:s11], [sflag:s22] =	dma.local [hbm:s9], s20  }
0xa2: {  	_ =	swait.ge [sflag:s22], s20  }
0xa3: {  	s8 =	ssub.s32 $0x0, s20;
	[sflag:s22] =	ssyncset.done $0x0  }
0xa4: {  	[sflag:s22] =	ssyncadd.s32 s8;
	_ =	sdelay $0x1  }
0xa5: {  	s23 =	simm.s32 $0x1B8B  }
0xa6: {  	_ =	swait.ge [sflag:s23], $0x1  }
0xa7: {  	[sflag:s23] =	ssyncset.done $0x0  }
0xa8: {  	s25 =	simm.s32 $0x1B8E;
	s24 =	sld [smem:$0x3FFE];
	[sflag:s23] =	ssyncadd.s32 $0xFFFFFFFF  }
0xa9: {  	s26 =	simm.s32 $execute0_lowered;
	[smem:$0x3FD2] =	sst s25  }
0xaa: {  	s9 =	sshll.u32 s26, $0x1;
	_ =	strace $0x80000046;
	[dreg:$0x1] =	wrdreg $0xFFFFFFFF  }
0xab: {  	s28 =	simm.s32 $_size_execute0_lowered;
	s7 =	sadd.s32 s7, s9;
	[dreg:$0x0] =	wrdreg $0x0  }
0xac: {  	s9 =	sshll.u32 s28, $0x1;
	[dreg:$0x2] =	wrdreg s7  }
0xad: {  	[dreg:$0x3] =	wrdreg s9  }
0xae: {  	[dreg:$0x4] =	wrdreg $0xC0  }
0xaf: {  	_ =	task [dreg:s11], $0x5FFFF  }
0xb0: {  	[dreg:$0x1] =	wrdreg $0xFFFFFFFF  }
0xb1: {  	[dreg:$0x0] =	wrdreg $0x60  }
0xb2: {  	[dreg:$0x2] =	wrdreg s2  }
0xb3: {  	[dreg:$0x3] =	wrdreg s18  }
0xb4: {  	[dreg:$0x4] =	wrdreg s4  }
0xb5: {  	[dreg:$0x5] =	wrdreg s5  }
0xb6: {  	[dreg:$0x6] =	wrdreg s6  }
0xb7: {  	[dreg:$0x7] =	wrdreg s24  }
0xb8: {  	[dreg:$0x8] =	wrdreg $0x9  }
0xb9: {  	_ =	task.clear_ibuf [dreg:s11], $0x9FFFF;
	_ =	strace $0x90000046  }
0xba: {  	s29 =	simm.s32 $0x9;
	_ =	strace $0x80000048  }
0xbb: {  	_ =	swait.ge [sflag:s29], $0x1  }
0xbc: {  	[sflag:s29] =	ssyncadd.s32 $0xFFFFFFFF  }
0xbd: {  	_ =	strace $0x90000048  }
0xbe: {  	_ =	sfence  }
0xbf: {  	s30 =	sld [smem:$0x0];
	_ =	sdelay $0x2  }
0xc0: {  	s31 =	sshll.u32 s1, $0xD;
	s1 =	sshrl.u32 s1, $0x2  }
0xc1: {  	s3 =	sand.u32 $0x4000, s31;
	s1 =	sadd.s32 s1, s30  }
0xc2: {  	s0 =	sor.u32 s3, s0;
	s1 =	sshll.u32 s1, $0x11  }
0xc3: {  	s0 =	sor.u32 s1, s0  }
0xc4: {  	s0 =	sadd.s32 $0x8F2B, s0  }
0xc5: {  	[sflag:s0] =	ssyncadd.remote.s32 $0x1  }
0xc6: {  	_ =	sfence.sel $0xFFFF  }
0xc7: {  	[dreg:$0x0] =	wrdreg $0xFFFFFFFF;
	(pc) =	sbr.abs _section_cstart, $3  }
0xc8: {  	[dreg:$0x1] =	wrdreg $0xFFFFFFFF  }
0xc9: {  	_ =	task.clear_ibuf [dreg:s11], $0x2FFFF;
	_ =	strace $0x9FFFFFFF  }
0xca: {  	(tm) =	ssettm $0x7FFFFFFF  }
0xcb: {  	_ =	shalt  }
tec
execute0_lowered:
.L_overlay_start_1:
0x0: {  	(tag) =	ssettag $0x1  }
0x1: {  	s5 =	rddreg [dreg:$0x0]  }
0x2: {  	s6 =	rddreg [dreg:$0x1]  }
0x3: {  	s1 =	rddreg [dreg:$0x2]  }
0x4: {  	s2 =	rddreg [dreg:$0x3]  }
0x5: {  	s7 =	rddreg [dreg:$0x4]  }
0x6: {  	s8 =	rddreg [dreg:$0x5];
	s4 =	srdreg.scid  }
0x7: {  	s0 =	rddreg [dreg:$0x6];
	s3 =	stileid.u32;
	s13 =	simm.s32 $0x7A1400  }
0x8: {  	s14 =	simm.s32 $0x1;
	s15 =	simm.s32 $0x100;
	s16 =	simm.s32 $0x18100  }
0x9: {  	s17 =	simm.s32 $0xC3800;
	s18 =	simm.s32 $0x19100;
	s19 =	simm.s32 $0x0  }
0xa: {  	s9 =	sand.u32 $0x1, s4;
	s4 =	simm.s32 $0x0;
	s11 =	sshll.u32 s3, $0x5  }
0xb: {  	s10 =	sshll.u32 s9, $0x9;
	[smem:$0x7FF] =	sst s4;
	s9 =	ssub.s32 $0x2, s9  }
0xc: {  	s10 =	sor.u32 s11, s10;
	_ =	strace $0x80000047;
	s12 =	sshrl.u32 s9, $0x1  }
0xd: {  	s11 =	sshll.u32 s10, $0x4;
	s9 =	ssub.s32 s9, s12;
	s10 =	sshrl.u32 s10, $0x3  }
0xe: {  	s12 =	simm.s32 $0x400;
	s8 =	sadd.s32 s11, s8;
	s5 =	sadd.s32 s5, s10  }
0xf: {  	v1 =	vlaneseq.u32;
	s6 =	sadd.s32 s6, s10;
	s7 =	sadd.s32 s7, s11;
	s9 =	smax.u32 s9, $0x1  }
0x10: {  	v2 =	vimm.f32 $0.0e+00;
	v0 =	vmul.u32 $0xC00, v1;
	v1 =	vmul.u32 $0x80, v1;
	s10 =	simm.s32 $0x2;
	s11 =	simm.s32 $0x80;
	s8 =	sadd.s32 $0xC00, s8  }
.LBB2_1:
0x11: {  	[tilespmem:s4], [sflag:$0x2] =	stream.linear.gather [hbm4b:s5+s4], $0x20, $0x38;
	[tilespmem:$0x1A100] =	vst v63  }
0x12: {  	_ =	swait.ge [sflag:s10], $0x20  }
0x13: {  	[sflag:s10] =	ssyncset.done $0x0  }
0x14: {  	[sflag:s10] =	ssyncadd.s32 $0xFFFFFFE0  }
0x15: {  	[tilespmem:s11], [sflag:$0x2] =	stream.linear.gather [hbm4b:s6+s4], $0x20, $0x38;
	[tilespmem:$0x1A100] =	vst v63  }
0x16: {  	_ =	swait.ge [sflag:s10], $0x20  }
0x17: {  	[sflag:s10] =	ssyncset.done $0x0  }
0x18: {  	p0 =	por $0x1, $0x1;
	s20 =	simm.s32 $0x0;
	[sflag:s10] =	ssyncadd.s32 $0xFFFFFFE0  }
.LBB2_2:
0x19: {  	s21 =	sshll.u32 s20, $0x4  }
0x1a: {  	s21 =	sand.u32 $0x3FFFFFF0, s21  }
0x1b: {  	v3 =	vld [tilespmem:s21+$0x0];
	_ =	sdelay $0x4  }
0x1c: {  	v3 =	vand.u32 $0xFFFFFF80, v3  }
0x1d: {  	v3 =	vadd.s32 s1, v3  }
0x1e: {  	(v2sf) =	vpush v3, $0x0;
	_ =	sdelay $0x3  }
0x1f: {  	(v2sf) =	vpush v3, $0x1;
	_ =	sdelay $0x3  }
0x20: {  	(v2sf) =	vpush v3, $0x2;
	_ =	sdelay $0x3  }
0x21: {  	s28 =	smul.u32 $0x30000, s20;
	(v2sf) =	vpush v3, $0x3;
	_ =	sdelay $0x1  }
0x22: {  	s20 =	sshra.s32 s28, $0x2  }
0x23: {  	s29 =	sor.u32 $0x100, s20;
	s22 =	spop (v2sf)  }
0x24: {  	(v2sf) =	vpush v3, $0x4;
	[tilespmem:s29], [sflag:$0x1] =	stream.strided.gather [hbm4b:s22+s12], $0x800, s13, s12, $0x38;
	[tilespmem:$0x1A100] =	vst v63  }
0x25: {  	s31 =	sor.u32 $0x900, s20;
	s30 =	sadd.s32 $0x1E8500, s22  }
0x26: {  	[tilespmem:s31], [sflag:$0x1] =	stream.linear.gather [hbm4b:s30+s4], $0x200, $0x38;
	[tilespmem:$0x1A100] =	vst v63  }
0x27: {  	s23 =	sor.u32 $0xD00, s20;
	s24 =	spop (v2sf)  }
0x28: {  	(v2sf) =	vpush v3, $0x5;
	[tilespmem:s23], [sflag:$0x1] =	stream.strided.gather [hbm4b:s24+s12], $0x800, s13, s12, $0x38;
	[tilespmem:$0x1A100] =	vst v63  }
0x29: {  	s26 =	sor.u32 $0x1500, s20;
	s25 =	sadd.s32 $0x1E8500, s24  }
0x2a: {  	[tilespmem:s26], [sflag:$0x1] =	stream.linear.gather [hbm4b:s25+s4], $0x200, $0x38;
	[tilespmem:$0x1A100] =	vst v63  }
0x2b: {  	s28 =	sor.u32 $0x1900, s20;
	s29 =	spop (v2sf)  }
0x2c: {  	(v2sf) =	vpush v3, $0x6;
	[tilespmem:s28], [sflag:$0x1] =	stream.strided.gather [hbm4b:s29+s12], $0x800, s13, s12, $0x38;
	[tilespmem:$0x1A100] =	vst v63  }
0x2d: {  	s30 =	sadd.s32 $0x1E8500, s29;
	s31 =	sor.u32 $0x2100, s20  }
0x2e: {  	[tilespmem:s31], [sflag:$0x1] =	stream.linear.gather [hbm4b:s30+s4], $0x200, $0x38;
	[tilespmem:$0x1A100] =	vst v63  }
0x2f: {  	s23 =	sor.u32 $0x2500, s20;
	s24 =	spop (v2sf)  }
0x30: {  	(v2sf) =	vpush v3, $0x7;
	[tilespmem:s23], [sflag:$0x1] =	stream.strided.gather [hbm4b:s24+s12], $0x800, s13, s12, $0x38;
	[tilespmem:$0x1A100] =	vst v63  }
0x31: {  	s25 =	sadd.s32 $0x1E8500, s24;
	s26 =	sor.u32 $0x2D00, s20  }
0x32: {  	[tilespmem:s26], [sflag:$0x1] =	stream.linear.gather [hbm4b:s25+s4], $0x200, $0x38;
	[tilespmem:$0x1A100] =	vst v63  }
0x33: {  	s28 =	sor.u32 $0x3100, s20;
	s29 =	spop (v2sf)  }
0x34: {  	(v2sf) =	vpush v3, $0x8;
	[tilespmem:s28], [sflag:$0x1] =	stream.strided.gather [hbm4b:s29+s12], $0x800, s13, s12, $0x38;
	[tilespmem:$0x1A100] =	vst v63  }
0x35: {  	s31 =	sor.u32 $0x3900, s20;
	s30 =	sadd.s32 $0x1E8500, s29  }
0x36: {  	[tilespmem:s31], [sflag:$0x1] =	stream.linear.gather [hbm4b:s30+s4], $0x200, $0x38;
	[tilespmem:$0x1A100] =	vst v63  }
0x37: {  	s23 =	sor.u32 $0x3D00, s20;
	s24 =	spop (v2sf)  }
0x38: {  	(v2sf) =	vpush v3, $0x9;
	[tilespmem:s23], [sflag:$0x1] =	stream.strided.gather [hbm4b:s24+s12], $0x800, s13, s12, $0x38;
	[tilespmem:$0x1A100] =	vst v63  }
0x39: {  	s26 =	sadd.s32 $0x4500, s20;
	s25 =	sadd.s32 $0x1E8500, s24  }
0x3a: {  	[tilespmem:s26], [sflag:$0x1] =	stream.linear.gather [hbm4b:s25+s4], $0x200, $0x38;
	[tilespmem:$0x1A100] =	vst v63  }
0x3b: {  	s28 =	sadd.s32 $0x4900, s20;
	s29 =	spop (v2sf)  }
0x3c: {  	(v2sf) =	vpush v3, $0xA;
	[tilespmem:s28], [sflag:$0x1] =	stream.strided.gather [hbm4b:s29+s12], $0x800, s13, s12, $0x38;
	[tilespmem:$0x1A100] =	vst v63  }
0x3d: {  	s30 =	sadd.s32 $0x1E8500, s29;
	s31 =	sadd.s32 $0x5100, s20  }
0x3e: {  	[tilespmem:s31], [sflag:$0x1] =	stream.linear.gather [hbm4b:s30+s4], $0x200, $0x38;
	[tilespmem:$0x1A100] =	vst v63  }
0x3f: {  	s23 =	sadd.s32 $0x5500, s20;
	s24 =	spop (v2sf)  }
0x40: {  	(v2sf) =	vpush v3, $0xB;
	[tilespmem:s23], [sflag:$0x1] =	stream.strided.gather [hbm4b:s24+s12], $0x800, s13, s12, $0x38;
	[tilespmem:$0x1A100] =	vst v63  }
0x41: {  	s25 =	sadd.s32 $0x1E8500, s24;
	s26 =	sadd.s32 $0x5D00, s20  }
0x42: {  	[tilespmem:s26], [sflag:$0x1] =	stream.linear.gather [hbm4b:s25+s4], $0x200, $0x38;
	[tilespmem:$0x1A100] =	vst v63  }
0x43: {  	s28 =	sadd.s32 $0x6100, s20;
	s29 =	spop (v2sf)  }
0x44: {  	(v2sf) =	vpush v3, $0xC;
	[tilespmem:s28], [sflag:$0x1] =	stream.strided.gather [hbm4b:s29+s12], $0x800, s13, s12, $0x38;
	[tilespmem:$0x1A100] =	vst v63  }
0x45: {  	s31 =	sadd.s32 $0x6900, s20;
	s30 =	sadd.s32 $0x1E8500, s29  }
0x46: {  	[tilespmem:s31], [sflag:$0x1] =	stream.linear.gather [hbm4b:s30+s4], $0x200, $0x38;
	[tilespmem:$0x1A100] =	vst v63  }
0x47: {  	s23 =	sadd.s32 $0x6D00, s20;
	s24 =	spop (v2sf)  }
0x48: {  	(v2sf) =	vpush v3, $0xD;
	[tilespmem:s23], [sflag:$0x1] =	stream.strided.gather [hbm4b:s24+s12], $0x800, s13, s12, $0x38;
	[tilespmem:$0x1A100] =	vst v63  }
0x49: {  	s26 =	sadd.s32 $0x7500, s20;
	s25 =	sadd.s32 $0x1E8500, s24  }
0x4a: {  	[tilespmem:s26], [sflag:$0x1] =	stream.linear.gather [hbm4b:s25+s4], $0x200, $0x38;
	[tilespmem:$0x1A100] =	vst v63  }
0x4b: {  	s28 =	sadd.s32 $0x7900, s20;
	s29 =	spop (v2sf)  }
0x4c: {  	(v2sf) =	vpush v3, $0xE;
	[tilespmem:s28], [sflag:$0x1] =	stream.strided.gather [hbm4b:s29+s12], $0x800, s13, s12, $0x38;
	[tilespmem:$0x1A100] =	vst v63  }
0x4d: {  	s30 =	sadd.s32 $0x1E8500, s29;
	s31 =	sadd.s32 $0x8100, s20  }
0x4e: {  	[tilespmem:s31], [sflag:$0x1] =	stream.linear.gather [hbm4b:s30+s4], $0x200, $0x38;
	[tilespmem:$0x1A100] =	vst v63  }
0x4f: {  	s23 =	sadd.s32 $0x8500, s20;
	s24 =	spop (v2sf)  }
0x50: {  	(v2sf) =	vpush v3, $0xF;
	[tilespmem:s23], [sflag:$0x1] =	stream.strided.gather [hbm4b:s24+s12], $0x800, s13, s12, $0x38;
	[tilespmem:$0x1A100] =	vst v63  }
0x51: {  	s25 =	sadd.s32 $0x1E8500, s24;
	s26 =	sadd.s32 $0x8D00, s20  }
0x52: {  	[tilespmem:s26], [sflag:$0x1] =	stream.linear.gather [hbm4b:s25+s4], $0x200, $0x38;
	[tilespmem:$0x1A100] =	vst v63  }
0x53: {  	s29 =	sadd.s32 $0x9100, s20;
	s28 =	spop (v2sf)  }
0x54: {  	[tilespmem:s29], [sflag:$0x1] =	stream.strided.gather [hbm4b:s28+s12], $0x800, s13, s12, $0x38;
	[tilespmem:$0x1A100] =	vst v63  }
0x55: {  	s30 =	sadd.s32 $0x9900, s20;
	s21 =	sadd.s32 $0x1E8500, s28  }
0x56: {  	[tilespmem:s30], [sflag:$0x1] =	stream.linear.gather [hbm4b:s21+s4], $0x200, $0x38;
	[tilespmem:$0x1A100] =	vst v63  }
0x57: {  	s23 =	sadd.s32 $0x9D00, s20;
	s31 =	spop (v2sf)  }
0x58: {  	[tilespmem:s23], [sflag:$0x1] =	stream.strided.gather [hbm4b:s31+s12], $0x800, s13, s12, $0x38;
	[tilespmem:$0x1A100] =	vst v63  }
0x59: {  	s24 =	sadd.s32 $0xA500, s20;
	s21 =	sadd.s32 $0x1E8500, s31  }
0x5a: {  	[tilespmem:s24], [sflag:$0x1] =	stream.linear.gather [hbm4b:s21+s4], $0x200, $0x38;
	[tilespmem:$0x1A100] =	vst v63  }
0x5b: {  	s26 =	sadd.s32 $0xA900, s20;
	s25 =	spop (v2sf)  }
0x5c: {  	[tilespmem:s26], [sflag:$0x1] =	stream.strided.gather [hbm4b:s25+s12], $0x800, s13, s12, $0x38;
	[tilespmem:$0x1A100] =	vst v63  }
0x5d: {  	p1 =	por p0, p0;
	s28 =	sadd.s32 $0xB100, s20;
	s21 =	sadd.s32 $0x1E8500, s25  }
0x5e: {  	[tilespmem:s28], [sflag:$0x1] =	stream.linear.gather [hbm4b:s21+s4], $0x200, $0x38;
	[tilespmem:$0x1A100] =	vst v63  }
.Ltmp0:
0x5f: {  	s29 =	sadd.s32 $0xB500, s20;
	s30 =	spop (v2sf);
	(pc) =	sbr.rel @p1 .LBB2_2-.Ltmp0, $4  }
0x60: {  	[tilespmem:s29], [sflag:$0x1] =	stream.strided.gather [hbm4b:s30+s12], $0x800, s13, s12, $0x38;
	[tilespmem:$0x1A100] =	vst v63  }
0x61: {  	s20 =	sadd.s32 $0xBD00, s20;
	s31 =	sadd.s32 $0x1E8500, s30  }
0x62: {  	[tilespmem:s20], [sflag:$0x1] =	stream.linear.gather [hbm4b:s31+s4], $0x200, $0x38;
	[tilespmem:$0x1A100] =	vst v63  }
0x63: {  	p0 =	por $0x0, $0x0;
	s20 =	simm.s32 $0x1  }
0x64: {  	_ =	swait.ge [sflag:s14], $0xA00  }
0x65: {  	[sflag:s14] =	ssyncset.done $0x0  }
0x66: {  	[sflag:s14] =	ssyncadd.s32 $0xFFFFF600  }
0x67: {  	_ =	swait.ge [sflag:s14], $0xA00  }
0x68: {  	[sflag:s14] =	ssyncset.done $0x0  }
0x69: {  	[sflag:s14] =	ssyncadd.s32 $0xFFFFF600  }
0x6a: {  	_ =	swait.ge [sflag:s14], $0xA00  }
0x6b: {  	[sflag:s14] =	ssyncset.done $0x0  }
0x6c: {  	[sflag:s14] =	ssyncadd.s32 $0xFFFFF600  }
0x6d: {  	_ =	swait.ge [sflag:s14], $0xA00  }
0x6e: {  	[sflag:s14] =	ssyncset.done $0x0  }
0x6f: {  	[sflag:s14] =	ssyncadd.s32 $0xFFFFF600  }
0x70: {  	_ =	swait.ge [sflag:s14], $0xA00  }
0x71: {  	[sflag:s14] =	ssyncset.done $0x0  }
0x72: {  	[sflag:s14] =	ssyncadd.s32 $0xFFFFF600  }
0x73: {  	_ =	swait.ge [sflag:s14], $0xA00  }
0x74: {  	[sflag:s14] =	ssyncset.done $0x0  }
0x75: {  	[sflag:s14] =	ssyncadd.s32 $0xFFFFF600  }
0x76: {  	_ =	swait.ge [sflag:s14], $0xA00  }
0x77: {  	[sflag:s14] =	ssyncset.done $0x0  }
0x78: {  	[sflag:s14] =	ssyncadd.s32 $0xFFFFF600  }
0x79: {  	_ =	swait.ge [sflag:s14], $0xA00  }
0x7a: {  	[sflag:s14] =	ssyncset.done $0x0  }
0x7b: {  	[sflag:s14] =	ssyncadd.s32 $0xFFFFF600  }
0x7c: {  	_ =	swait.ge [sflag:s14], $0xA00  }
0x7d: {  	[sflag:s14] =	ssyncset.done $0x0  }
0x7e: {  	[sflag:s14] =	ssyncadd.s32 $0xFFFFF600  }
0x7f: {  	_ =	swait.ge [sflag:s14], $0xA00  }
0x80: {  	[sflag:s14] =	ssyncset.done $0x0  }
0x81: {  	[sflag:s14] =	ssyncadd.s32 $0xFFFFF600  }
0x82: {  	_ =	swait.ge [sflag:s14], $0xA00  }
0x83: {  	[sflag:s14] =	ssyncset.done $0x0  }
0x84: {  	[sflag:s14] =	ssyncadd.s32 $0xFFFFF600  }
0x85: {  	_ =	swait.ge [sflag:s14], $0xA00  }
0x86: {  	[sflag:s14] =	ssyncset.done $0x0  }
0x87: {  	[sflag:s14] =	ssyncadd.s32 $0xFFFFF600  }
0x88: {  	_ =	swait.ge [sflag:s14], $0xA00  }
0x89: {  	[sflag:s14] =	ssyncset.done $0x0  }
0x8a: {  	[sflag:s14] =	ssyncadd.s32 $0xFFFFF600  }
0x8b: {  	_ =	swait.ge [sflag:s14], $0xA00  }
0x8c: {  	[sflag:s14] =	ssyncset.done $0x0  }
0x8d: {  	[sflag:s14] =	ssyncadd.s32 $0xFFFFF600  }
0x8e: {  	_ =	swait.ge [sflag:s14], $0xA00  }
0x8f: {  	[sflag:s14] =	ssyncset.done $0x0  }
0x90: {  	[sflag:s14] =	ssyncadd.s32 $0xFFFFF600  }
0x91: {  	_ =	swait.ge [sflag:s14], $0xA00  }
0x92: {  	[sflag:s14] =	ssyncset.done $0x0  }
0x93: {  	[sflag:s14] =	ssyncadd.s32 $0xFFFFF600  }
0x94: {  	_ =	swait.ge [sflag:s14], $0xA00  }
0x95: {  	[sflag:s14] =	ssyncset.done $0x0  }
0x96: {  	[sflag:s14] =	ssyncadd.s32 $0xFFFFF600  }
0x97: {  	_ =	swait.ge [sflag:s14], $0xA00  }
0x98: {  	[sflag:s14] =	ssyncset.done $0x0  }
0x99: {  	[sflag:s14] =	ssyncadd.s32 $0xFFFFF600  }
0x9a: {  	_ =	swait.ge [sflag:s14], $0xA00  }
0x9b: {  	[sflag:s14] =	ssyncset.done $0x0  }
0x9c: {  	[sflag:s14] =	ssyncadd.s32 $0xFFFFF600  }
0x9d: {  	_ =	swait.ge [sflag:s14], $0xA00  }
0x9e: {  	[sflag:s14] =	ssyncset.done $0x0  }
0x9f: {  	[sflag:s14] =	ssyncadd.s32 $0xFFFFF600  }
0xa0: {  	_ =	swait.ge [sflag:s14], $0xA00  }
0xa1: {  	[sflag:s14] =	ssyncset.done $0x0  }
0xa2: {  	[sflag:s14] =	ssyncadd.s32 $0xFFFFF600  }
0xa3: {  	_ =	swait.ge [sflag:s14], $0xA00  }
0xa4: {  	[sflag:s14] =	ssyncset.done $0x0  }
0xa5: {  	[sflag:s14] =	ssyncadd.s32 $0xFFFFF600  }
0xa6: {  	_ =	swait.ge [sflag:s14], $0xA00  }
0xa7: {  	[sflag:s14] =	ssyncset.done $0x0  }
0xa8: {  	[sflag:s14] =	ssyncadd.s32 $0xFFFFF600  }
0xa9: {  	_ =	swait.ge [sflag:s14], $0xA00  }
0xaa: {  	[sflag:s14] =	ssyncset.done $0x0  }
0xab: {  	[sflag:s14] =	ssyncadd.s32 $0xFFFFF600  }
0xac: {  	_ =	swait.ge [sflag:s14], $0xA00  }
0xad: {  	[sflag:s14] =	ssyncset.done $0x0  }
0xae: {  	[sflag:s14] =	ssyncadd.s32 $0xFFFFF600  }
0xaf: {  	_ =	swait.ge [sflag:s14], $0xA00  }
0xb0: {  	[sflag:s14] =	ssyncset.done $0x0  }
0xb1: {  	[sflag:s14] =	ssyncadd.s32 $0xFFFFF600  }
0xb2: {  	_ =	swait.ge [sflag:s14], $0xA00  }
0xb3: {  	[sflag:s14] =	ssyncset.done $0x0  }
0xb4: {  	[sflag:s14] =	ssyncadd.s32 $0xFFFFF600  }
0xb5: {  	_ =	swait.ge [sflag:s14], $0xA00  }
0xb6: {  	[sflag:s14] =	ssyncset.done $0x0  }
0xb7: {  	[sflag:s14] =	ssyncadd.s32 $0xFFFFF600  }
0xb8: {  	_ =	swait.ge [sflag:s14], $0xA00  }
0xb9: {  	[sflag:s14] =	ssyncset.done $0x0  }
0xba: {  	[sflag:s14] =	ssyncadd.s32 $0xFFFFF600  }
0xbb: {  	_ =	swait.ge [sflag:s14], $0xA00  }
0xbc: {  	[sflag:s14] =	ssyncset.done $0x0  }
0xbd: {  	[sflag:s14] =	ssyncadd.s32 $0xFFFFF600  }
0xbe: {  	_ =	swait.ge [sflag:s14], $0xA00  }
0xbf: {  	[sflag:s14] =	ssyncset.done $0x0  }
0xc0: {  	[sflag:s14] =	ssyncadd.s32 $0xFFFFF600  }
0xc1: {  	_ =	swait.ge [sflag:s14], $0xA00  }
0xc2: {  	[sflag:s14] =	ssyncset.done $0x0  }
0xc3: {  	s20 =	simm.s32 $0x0;
	p0 =	por $0x1, $0x1;
	[sflag:s14] =	ssyncadd.s32 $0xFFFFF600  }
.LBB2_4:
0xc4: {  	s21 =	sshll.u32 s20, $0x4  }
0xc5: {  	v3 =	vld [tilespmem:s21+$0x0]  }
0xc6: {  	s20 =	smul.u32 $0x180, s20;
	_ =	sdelay $0x1  }
0xc7: {  	v4 =	vmov s20  }
0xc8: {  	v5 =	vshll.u32 v4, $0x7  }
0xc9: {  	v4 =	vand.u32 $0x7F, v3;
	v3 =	vadd.s32 v0, v5  }
0xca: {  	v3 =	vor.u32 v3, v4;
	_ =	sdelay $0x1  }
0xcb: {  	s22 =	sor.u32 $0x1, s20  }
0xcc: {  	v51 =	vmov s21;
	v6 =	vmov s22  }
0xcd: {  	v6 =	vshll.u32 v6, $0x7;
	v5 =	vshll.u32 v51, $0x7  }
0xce: {  	v52 =	vadd.s32 v0, v6;
	v7 =	vld.idx.msk [tilespmem:v3+s15+$0x0], $0xffff;
	v3 =	vor.u32 v1, v5  }
0xcf: {  	v5 =	vor.u32 v52, v4;
	_ =	sdelay $0x1  }
0xd0: {  	s23 =	sor.u32 $0x2, s20  }
0xd1: {  	v53 =	vmov s23  }
0xd2: {  	v6 =	vshll.u32 v53, $0x7;
	[tilespmem:v3+s16+$0x0] =	vst.idx.msk $0xffff, v7  }
0xd3: {  	v6 =	vadd.s32 v0, v6;
	v54 =	vor.u32 $0x1, v3;
	v5 =	vld.idx.msk [tilespmem:v5+s15+$0x0], $0xffff  }
0xd4: {  	v6 =	vor.u32 v6, v4;
	_ =	sdelay $0x1  }
0xd5: {  	s24 =	sor.u32 $0x3, s20  }
0xd6: {  	v8 =	vmov s24  }
0xd7: {  	v55 =	vshll.u32 v8, $0x7;
	[tilespmem:v54+s16+$0x0] =	vst.idx.msk $0xffff, v5  }
0xd8: {  	v56 =	vor.u32 $0x2, v3;
	v5 =	vadd.s32 v0, v55;
	v6 =	vld.idx.msk [tilespmem:v6+s15+$0x0], $0xffff  }
0xd9: {  	v5 =	vor.u32 v5, v4;
	_ =	sdelay $0x1  }
0xda: {  	s25 =	sor.u32 $0x4, s20  }
0xdb: {  	v57 =	vmov s25  }
0xdc: {  	v58 =	vshll.u32 v57, $0x7;
	[tilespmem:v56+s16+$0x0] =	vst.idx.msk $0xffff, v6  }
0xdd: {  	v59 =	vor.u32 $0x3, v3;
	v6 =	vadd.s32 v0, v58;
	v5 =	vld.idx.msk [tilespmem:v5+s15+$0x0], $0xffff  }
0xde: {  	v6 =	vor.u32 v6, v4;
	_ =	sdelay $0x1  }
0xdf: {  	s26 =	sor.u32 $0x5, s20  }
0xe0: {  	v60 =	vmov s26  }
0xe1: {  	v61 =	vshll.u32 v60, $0x7;
	[tilespmem:v59+s16+$0x0] =	vst.idx.msk $0xffff, v5  }
0xe2: {  	v62 =	vor.u32 $0x4, v3;
	v5 =	vadd.s32 v0, v61;
	v6 =	vld.idx.msk [tilespmem:v6+s15+$0x0], $0xffff  }
0xe3: {  	v5 =	vor.u32 v5, v4;
	_ =	sdelay $0x1  }
0xe4: {  	s28 =	sor.u32 $0x6, s20  }
0xe5: {  	v63 =	vmov s28  }
0xe6: {  	v12 =	vshll.u32 v63, $0x7;
	[tilespmem:v62+s16+$0x0] =	vst.idx.msk $0xffff, v6  }
0xe7: {  	v13 =	vor.u32 $0x5, v3;
	v6 =	vadd.s32 v0, v12;
	v5 =	vld.idx.msk [tilespmem:v5+s15+$0x0], $0xffff  }
0xe8: {  	v6 =	vor.u32 v6, v4;
	_ =	sdelay $0x1  }
0xe9: {  	s29 =	sor.u32 $0x7, s20  }
0xea: {  	v14 =	vmov s29  }
0xeb: {  	v15 =	vshll.u32 v14, $0x7;
	[tilespmem:v13+s16+$0x0] =	vst.idx.msk $0xffff, v5  }
0xec: {  	v16 =	vor.u32 $0x6, v3;
	v5 =	vadd.s32 v0, v15;
	v6 =	vld.idx.msk [tilespmem:v6+s15+$0x0], $0xffff  }
0xed: {  	v5 =	vor.u32 v5, v4;
	_ =	sdelay $0x1  }
0xee: {  	s30 =	sor.u32 $0x8, s20  }
0xef: {  	v17 =	vmov s30  }
0xf0: {  	v18 =	vshll.u32 v17, $0x7;
	[tilespmem:v16+s16+$0x0] =	vst.idx.msk $0xffff, v6  }
0xf1: {  	v19 =	vor.u32 $0x7, v3;
	v6 =	vadd.s32 v0, v18;
	v5 =	vld.idx.msk [tilespmem:v5+s15+$0x0], $0xffff  }
0xf2: {  	v6 =	vor.u32 v6, v4;
	_ =	sdelay $0x1  }
0xf3: {  	s31 =	sor.u32 $0x9, s20  }
0xf4: {  	v20 =	vmov s31  }
0xf5: {  	v21 =	vshll.u32 v20, $0x7;
	[tilespmem:v19+s16+$0x0] =	vst.idx.msk $0xffff, v5  }
0xf6: {  	v22 =	vor.u32 $0x8, v3;
	v5 =	vadd.s32 v0, v21;
	v6 =	vld.idx.msk [tilespmem:v6+s15+$0x0], $0xffff  }
0xf7: {  	v5 =	vor.u32 v5, v4;
	_ =	sdelay $0x1  }
0xf8: {  	s22 =	sor.u32 $0xA, s20  }
0xf9: {  	v23 =	vmov s22  }
0xfa: {  	v24 =	vshll.u32 v23, $0x7;
	[tilespmem:v22+s16+$0x0] =	vst.idx.msk $0xffff, v6  }
0xfb: {  	v25 =	vor.u32 $0x9, v3;
	v6 =	vadd.s32 v0, v24;
	v5 =	vld.idx.msk [tilespmem:v5+s15+$0x0], $0xffff  }
0xfc: {  	v6 =	vor.u32 v6, v4;
	_ =	sdelay $0x1  }
0xfd: {  	s23 =	sor.u32 $0xB, s20  }
0xfe: {  	v26 =	vmov s23  }
0xff: {  	v27 =	vshll.u32 v26, $0x7;
	[tilespmem:v25+s16+$0x0] =	vst.idx.msk $0xffff, v5  }
0x100: {  	v28 =	vor.u32 $0xA, v3;
	v5 =	vadd.s32 v0, v27;
	v6 =	vld.idx.msk [tilespmem:v6+s15+$0x0], $0xffff  }
0x101: {  	v5 =	vor.u32 v5, v4;
	_ =	sdelay $0x1  }
0x102: {  	s24 =	sor.u32 $0xC, s20  }
0x103: {  	v29 =	vmov s24  }
0x104: {  	v30 =	vshll.u32 v29, $0x7;
	[tilespmem:v28+s16+$0x0] =	vst.idx.msk $0xffff, v6  }
0x105: {  	v31 =	vor.u32 $0xB, v3;
	v6 =	vadd.s32 v0, v30;
	v5 =	vld.idx.msk [tilespmem:v5+s15+$0x0], $0xffff  }
0x106: {  	v6 =	vor.u32 v6, v4;
	_ =	sdelay $0x1  }
0x107: {  	s25 =	sor.u32 $0xD, s20  }
0x108: {  	v32 =	vmov s25  }
0x109: {  	v33 =	vshll.u32 v32, $0x7;
	[tilespmem:v31+s16+$0x0] =	vst.idx.msk $0xffff, v5  }
0x10a: {  	v34 =	vor.u32 $0xC, v3;
	v5 =	vadd.s32 v0, v33;
	v6 =	vld.idx.msk [tilespmem:v6+s15+$0x0], $0xffff  }
0x10b: {  	v5 =	vor.u32 v5, v4;
	_ =	sdelay $0x1  }
0x10c: {  	s26 =	sor.u32 $0xE, s20  }
0x10d: {  	v35 =	vmov s26  }
0x10e: {  	v36 =	vshll.u32 v35, $0x7;
	[tilespmem:v34+s16+$0x0] =	vst.idx.msk $0xffff, v6  }
0x10f: {  	v37 =	vor.u32 $0xD, v3;
	v6 =	vadd.s32 v0, v36;
	v5 =	vld.idx.msk [tilespmem:v5+s15+$0x0], $0xffff  }
0x110: {  	v6 =	vor.u32 v6, v4;
	_ =	sdelay $0x1  }
0x111: {  	s28 =	sor.u32 $0xF, s20  }
0x112: {  	v38 =	vmov s28  }
0x113: {  	v39 =	vshll.u32 v38, $0x7;
	[tilespmem:v37+s16+$0x0] =	vst.idx.msk $0xffff, v5  }
0x114: {  	v40 =	vor.u32 $0xE, v3;
	v5 =	vadd.s32 v0, v39;
	v6 =	vld.idx.msk [tilespmem:v6+s15+$0x0], $0xffff  }
0x115: {  	v5 =	vor.u32 v5, v4;
	_ =	sdelay $0x1  }
0x116: {  	s29 =	sor.u32 $0x10, s20  }
0x117: {  	v41 =	vmov s29  }
0x118: {  	v42 =	vshll.u32 v41, $0x7;
	[tilespmem:v40+s16+$0x0] =	vst.idx.msk $0xffff, v6  }
0x119: {  	v43 =	vor.u32 $0xF, v3;
	v6 =	vadd.s32 v0, v42;
	v5 =	vld.idx.msk [tilespmem:v5+s15+$0x0], $0xffff  }
0x11a: {  	v6 =	vor.u32 v6, v4;
	_ =	sdelay $0x1  }
0x11b: {  	s30 =	sor.u32 $0x11, s20  }
0x11c: {  	v44 =	vmov s30  }
0x11d: {  	v45 =	vshll.u32 v44, $0x7;
	[tilespmem:v43+s16+$0x0] =	vst.idx.msk $0xffff, v5  }
0x11e: {  	v46 =	vor.u32 $0x10, v3;
	v5 =	vadd.s32 v0, v45;
	v6 =	vld.idx.msk [tilespmem:v6+s15+$0x0], $0xffff  }
0x11f: {  	v5 =	vor.u32 v5, v4;
	_ =	sdelay $0x1  }
0x120: {  	s31 =	sor.u32 $0x12, s20  }
0x121: {  	v47 =	vmov s31  }
0x122: {  	v48 =	vshll.u32 v47, $0x7;
	[tilespmem:v46+s16+$0x0] =	vst.idx.msk $0xffff, v6  }
0x123: {  	v49 =	vor.u32 $0x11, v3;
	v6 =	vadd.s32 v0, v48;
	v5 =	vld.idx.msk [tilespmem:v5+s15+$0x0], $0xffff  }
0x124: {  	v6 =	vor.u32 v6, v4;
	_ =	sdelay $0x1  }
0x125: {  	s20 =	sor.u32 $0x13, s20  }
0x126: {  	v50 =	vmov s20  }
0x127: {  	v51 =	vshll.u32 v50, $0x7;
	[tilespmem:v49+s16+$0x0] =	vst.idx.msk $0xffff, v5  }
0x128: {  	v52 =	vor.u32 $0x12, v3;
	v5 =	vadd.s32 v0, v51;
	v6 =	vld.idx.msk [tilespmem:v6+s15+$0x0], $0xffff  }
0x129: {  	v4 =	vor.u32 v5, v4;
	_ =	sdelay $0x3  }
0x12a: {  	[tilespmem:v52+s16+$0x0] =	vst.idx.msk $0xffff, v6  }
0x12b: {  	v53 =	vor.u32 $0x13, v3;
	v4 =	vld.idx.msk [tilespmem:v4+s15+$0x0], $0xffff  }
0x12c: {  	v54 =	vor.u32 $0x14, v3  }
0x12d: {  	v55 =	vor.u32 $0x15, v3  }
0x12e: {  	v56 =	vor.u32 $0x16, v3  }
0x12f: {  	v9 =	vor.u32 $0x17, v3  }
0x130: {  	v57 =	vor.u32 $0x18, v3;
	[tilespmem:v53+s16+$0x0] =	vst.idx.msk $0xffff, v4  }
0x131: {  	v58 =	vor.u32 $0x19, v3;
	[tilespmem:v54+s16+$0x0] =	vst.idx.msk $0xffff, v2  }
0x132: {  	v59 =	vor.u32 $0x1A, v3;
	[tilespmem:v55+s16+$0x0] =	vst.idx.msk $0xffff, v2  }
0x133: {  	v60 =	vor.u32 $0x1B, v3;
	[tilespmem:v56+s16+$0x0] =	vst.idx.msk $0xffff, v2  }
0x134: {  	v61 =	vor.u32 $0x1C, v3;
	[tilespmem:v9+s16+$0x0] =	vst.idx.msk $0xffff, v2  }
0x135: {  	v62 =	vor.u32 $0x1D, v3;
	[tilespmem:v57+s16+$0x0] =	vst.idx.msk $0xffff, v2  }
0x136: {  	v63 =	vor.u32 $0x1E, v3;
	[tilespmem:v58+s16+$0x0] =	vst.idx.msk $0xffff, v2  }
0x137: {  	p1 =	por p0, p0;
	v3 =	vor.u32 $0x1F, v3;
	[tilespmem:v59+s16+$0x0] =	vst.idx.msk $0xffff, v2  }
.Ltmp1:
0x138: {  	[tilespmem:v60+s16+$0x0] =	vst.idx.msk $0xffff, v2;
	(pc) =	sbr.rel @p1 .LBB2_4-.Ltmp1, $4  }
0x139: {  	[tilespmem:v61+s16+$0x0] =	vst.idx.msk $0xffff, v2  }
0x13a: {  	[tilespmem:v62+s16+$0x0] =	vst.idx.msk $0xffff, v2  }
0x13b: {  	[tilespmem:v63+s16+$0x0] =	vst.idx.msk $0xffff, v2  }
0x13c: {  	p0 =	por $0x0, $0x0;
	s20 =	simm.s32 $0x1;
	[tilespmem:v3+s16+$0x0] =	vst.idx.msk $0xffff, v2  }
0x13d: {  	s20 =	simm.s32 $0x0  }
0x13e: {  	[hbm4b:s7+s20] =	stream.linear.scatter [tilespmem:s16], [sflag:$0x2], $0x1000, $0x38;
	[tilespmem:$0x1A100] =	vst v63  }
0x13f: {  	_ =	swait.ge [sflag:s10], $0x1000  }
0x140: {  	[sflag:s10] =	ssyncset.done $0x0  }
0x141: {  	p0 =	por $0x1, $0x1;
	[sflag:s10] =	ssyncadd.s32 $0xFFFFF000  }
.LBB2_6:
0x142: {  	s21 =	sshll.u32 s20, $0x4  }
0x143: {  	s21 =	sand.u32 $0x3FFFFFF0, s21  }
0x144: {  	v3 =	vld [tilespmem:s21+$0x80];
	_ =	sdelay $0x4  }
0x145: {  	v3 =	vand.u32 $0xFFFFFF80, v3  }
0x146: {  	v3 =	vadd.s32 s2, v3  }
0x147: {  	(v2sf) =	vpush v3, $0x0;
	_ =	sdelay $0x3  }
0x148: {  	(v2sf) =	vpush v3, $0x1;
	_ =	sdelay $0x3  }
0x149: {  	(v2sf) =	vpush v3, $0x2;
	_ =	sdelay $0x3  }
0x14a: {  	s28 =	smul.u32 $0x30000, s20;
	(v2sf) =	vpush v3, $0x3;
	_ =	sdelay $0x1  }
0x14b: {  	s20 =	sshra.s32 s28, $0x2  }
0x14c: {  	s29 =	sor.u32 $0x100, s20;
	s22 =	spop (v2sf)  }
0x14d: {  	(v2sf) =	vpush v3, $0x4;
	[tilespmem:s29], [sflag:$0x1] =	stream.strided.gather [hbm4b:s22+s12], $0x800, s17, s12, $0x38;
	[tilespmem:$0x1A100] =	vst v63  }
0x14e: {  	s31 =	sor.u32 $0x900, s20;
	s30 =	sadd.s32 $0x30E00, s22  }
0x14f: {  	[tilespmem:s31], [sflag:$0x1] =	stream.linear.gather [hbm4b:s30+s4], $0x200, $0x38;
	[tilespmem:$0x1A100] =	vst v63  }
0x150: {  	s23 =	sor.u32 $0xD00, s20;
	s24 =	spop (v2sf)  }
0x151: {  	(v2sf) =	vpush v3, $0x5;
	[tilespmem:s23], [sflag:$0x1] =	stream.strided.gather [hbm4b:s24+s12], $0x800, s17, s12, $0x38;
	[tilespmem:$0x1A100] =	vst v63  }
0x152: {  	s26 =	sor.u32 $0x1500, s20;
	s25 =	sadd.s32 $0x30E00, s24  }
0x153: {  	[tilespmem:s26], [sflag:$0x1] =	stream.linear.gather [hbm4b:s25+s4], $0x200, $0x38;
	[tilespmem:$0x1A100] =	vst v63  }
0x154: {  	s28 =	sor.u32 $0x1900, s20;
	s29 =	spop (v2sf)  }
0x155: {  	(v2sf) =	vpush v3, $0x6;
	[tilespmem:s28], [sflag:$0x1] =	stream.strided.gather [hbm4b:s29+s12], $0x800, s17, s12, $0x38;
	[tilespmem:$0x1A100] =	vst v63  }
0x156: {  	s30 =	sadd.s32 $0x30E00, s29;
	s31 =	sor.u32 $0x2100, s20  }
0x157: {  	[tilespmem:s31], [sflag:$0x1] =	stream.linear.gather [hbm4b:s30+s4], $0x200, $0x38;
	[tilespmem:$0x1A100] =	vst v63  }
0x158: {  	s23 =	sor.u32 $0x2500, s20;
	s24 =	spop (v2sf)  }
0x159: {  	(v2sf) =	vpush v3, $0x7;
	[tilespmem:s23], [sflag:$0x1] =	stream.strided.gather [hbm4b:s24+s12], $0x800, s17, s12, $0x38;
	[tilespmem:$0x1A100] =	vst v63  }
0x15a: {  	s25 =	sadd.s32 $0x30E00, s24;
	s26 =	sor.u32 $0x2D00, s20  }
0x15b: {  	[tilespmem:s26], [sflag:$0x1] =	stream.linear.gather [hbm4b:s25+s4], $0x200, $0x38;
	[tilespmem:$0x1A100] =	vst v63  }
0x15c: {  	s28 =	sor.u32 $0x3100, s20;
	s29 =	spop (v2sf)  }
0x15d: {  	(v2sf) =	vpush v3, $0x8;
	[tilespmem:s28], [sflag:$0x1] =	stream.strided.gather [hbm4b:s29+s12], $0x800, s17, s12, $0x38;
	[tilespmem:$0x1A100] =	vst v63  }
0x15e: {  	s31 =	sor.u32 $0x3900, s20;
	s30 =	sadd.s32 $0x30E00, s29  }
0x15f: {  	[tilespmem:s31], [sflag:$0x1] =	stream.linear.gather [hbm4b:s30+s4], $0x200, $0x38;
	[tilespmem:$0x1A100] =	vst v63  }
0x160: {  	s23 =	sor.u32 $0x3D00, s20;
	s24 =	spop (v2sf)  }
0x161: {  	(v2sf) =	vpush v3, $0x9;
	[tilespmem:s23], [sflag:$0x1] =	stream.strided.gather [hbm4b:s24+s12], $0x800, s17, s12, $0x38;
	[tilespmem:$0x1A100] =	vst v63  }
0x162: {  	s26 =	sadd.s32 $0x4500, s20;
	s25 =	sadd.s32 $0x30E00, s24  }
0x163: {  	[tilespmem:s26], [sflag:$0x1] =	stream.linear.gather [hbm4b:s25+s4], $0x200, $0x38;
	[tilespmem:$0x1A100] =	vst v63  }
0x164: {  	s28 =	sadd.s32 $0x4900, s20;
	s29 =	spop (v2sf)  }
0x165: {  	(v2sf) =	vpush v3, $0xA;
	[tilespmem:s28], [sflag:$0x1] =	stream.strided.gather [hbm4b:s29+s12], $0x800, s17, s12, $0x38;
	[tilespmem:$0x1A100] =	vst v63  }
0x166: {  	s30 =	sadd.s32 $0x30E00, s29;
	s31 =	sadd.s32 $0x5100, s20  }
0x167: {  	[tilespmem:s31], [sflag:$0x1] =	stream.linear.gather [hbm4b:s30+s4], $0x200, $0x38;
	[tilespmem:$0x1A100] =	vst v63  }
0x168: {  	s23 =	sadd.s32 $0x5500, s20;
	s24 =	spop (v2sf)  }
0x169: {  	(v2sf) =	vpush v3, $0xB;
	[tilespmem:s23], [sflag:$0x1] =	stream.strided.gather [hbm4b:s24+s12], $0x800, s17, s12, $0x38;
	[tilespmem:$0x1A100] =	vst v63  }
0x16a: {  	s25 =	sadd.s32 $0x30E00, s24;
	s26 =	sadd.s32 $0x5D00, s20  }
0x16b: {  	[tilespmem:s26], [sflag:$0x1] =	stream.linear.gather [hbm4b:s25+s4], $0x200, $0x38;
	[tilespmem:$0x1A100] =	vst v63  }
0x16c: {  	s28 =	sadd.s32 $0x6100, s20;
	s29 =	spop (v2sf)  }
0x16d: {  	(v2sf) =	vpush v3, $0xC;
	[tilespmem:s28], [sflag:$0x1] =	stream.strided.gather [hbm4b:s29+s12], $0x800, s17, s12, $0x38;
	[tilespmem:$0x1A100] =	vst v63  }
0x16e: {  	s31 =	sadd.s32 $0x6900, s20;
	s30 =	sadd.s32 $0x30E00, s29  }
0x16f: {  	[tilespmem:s31], [sflag:$0x1] =	stream.linear.gather [hbm4b:s30+s4], $0x200, $0x38;
	[tilespmem:$0x1A100] =	vst v63  }
0x170: {  	s23 =	sadd.s32 $0x6D00, s20;
	s24 =	spop (v2sf)  }
0x171: {  	(v2sf) =	vpush v3, $0xD;
	[tilespmem:s23], [sflag:$0x1] =	stream.strided.gather [hbm4b:s24+s12], $0x800, s17, s12, $0x38;
	[tilespmem:$0x1A100] =	vst v63  }
0x172: {  	s26 =	sadd.s32 $0x7500, s20;
	s25 =	sadd.s32 $0x30E00, s24  }
0x173: {  	[tilespmem:s26], [sflag:$0x1] =	stream.linear.gather [hbm4b:s25+s4], $0x200, $0x38;
	[tilespmem:$0x1A100] =	vst v63  }
0x174: {  	s28 =	sadd.s32 $0x7900, s20;
	s29 =	spop (v2sf)  }
0x175: {  	(v2sf) =	vpush v3, $0xE;
	[tilespmem:s28], [sflag:$0x1] =	stream.strided.gather [hbm4b:s29+s12], $0x800, s17, s12, $0x38;
	[tilespmem:$0x1A100] =	vst v63  }
0x176: {  	s30 =	sadd.s32 $0x30E00, s29;
	s31 =	sadd.s32 $0x8100, s20  }
0x177: {  	[tilespmem:s31], [sflag:$0x1] =	stream.linear.gather [hbm4b:s30+s4], $0x200, $0x38;
	[tilespmem:$0x1A100] =	vst v63  }
0x178: {  	s23 =	sadd.s32 $0x8500, s20;
	s24 =	spop (v2sf)  }
0x179: {  	(v2sf) =	vpush v3, $0xF;
	[tilespmem:s23], [sflag:$0x1] =	stream.strided.gather [hbm4b:s24+s12], $0x800, s17, s12, $0x38;
	[tilespmem:$0x1A100] =	vst v63  }
0x17a: {  	s25 =	sadd.s32 $0x30E00, s24;
	s26 =	sadd.s32 $0x8D00, s20  }
0x17b: {  	[tilespmem:s26], [sflag:$0x1] =	stream.linear.gather [hbm4b:s25+s4], $0x200, $0x38;
	[tilespmem:$0x1A100] =	vst v63  }
0x17c: {  	s29 =	sadd.s32 $0x9100, s20;
	s28 =	spop (v2sf)  }
0x17d: {  	[tilespmem:s29], [sflag:$0x1] =	stream.strided.gather [hbm4b:s28+s12], $0x800, s17, s12, $0x38;
	[tilespmem:$0x1A100] =	vst v63  }
0x17e: {  	s30 =	sadd.s32 $0x9900, s20;
	s21 =	sadd.s32 $0x30E00, s28  }
0x17f: {  	[tilespmem:s30], [sflag:$0x1] =	stream.linear.gather [hbm4b:s21+s4], $0x200, $0x38;
	[tilespmem:$0x1A100] =	vst v63  }
0x180: {  	s23 =	sadd.s32 $0x9D00, s20;
	s31 =	spop (v2sf)  }
0x181: {  	[tilespmem:s23], [sflag:$0x1] =	stream.strided.gather [hbm4b:s31+s12], $0x800, s17, s12, $0x38;
	[tilespmem:$0x1A100] =	vst v63  }
0x182: {  	s24 =	sadd.s32 $0xA500, s20;
	s21 =	sadd.s32 $0x30E00, s31  }
0x183: {  	[tilespmem:s24], [sflag:$0x1] =	stream.linear.gather [hbm4b:s21+s4], $0x200, $0x38;
	[tilespmem:$0x1A100] =	vst v63  }
0x184: {  	s26 =	sadd.s32 $0xA900, s20;
	s25 =	spop (v2sf)  }
0x185: {  	[tilespmem:s26], [sflag:$0x1] =	stream.strided.gather [hbm4b:s25+s12], $0x800, s17, s12, $0x38;
	[tilespmem:$0x1A100] =	vst v63  }
0x186: {  	p1 =	por p0, p0;
	s28 =	sadd.s32 $0xB100, s20;
	s21 =	sadd.s32 $0x30E00, s25  }
0x187: {  	[tilespmem:s28], [sflag:$0x1] =	stream.linear.gather [hbm4b:s21+s4], $0x200, $0x38;
	[tilespmem:$0x1A100] =	vst v63  }
.Ltmp2:
0x188: {  	s29 =	sadd.s32 $0xB500, s20;
	s30 =	spop (v2sf);
	(pc) =	sbr.rel @p1 .LBB2_6-.Ltmp2, $4  }
0x189: {  	[tilespmem:s29], [sflag:$0x1] =	stream.strided.gather [hbm4b:s30+s12], $0x800, s17, s12, $0x38;
	[tilespmem:$0x1A100] =	vst v63  }
0x18a: {  	s20 =	sadd.s32 $0xBD00, s20;
	s31 =	sadd.s32 $0x30E00, s30  }
0x18b: {  	[tilespmem:s20], [sflag:$0x1] =	stream.linear.gather [hbm4b:s31+s4], $0x200, $0x38;
	[tilespmem:$0x1A100] =	vst v63  }
0x18c: {  	p0 =	por $0x0, $0x0;
	s20 =	simm.s32 $0x1  }
0x18d: {  	_ =	swait.ge [sflag:s14], $0xA00  }
0x18e: {  	[sflag:s14] =	ssyncset.done $0x0  }
0x18f: {  	[sflag:s14] =	ssyncadd.s32 $0xFFFFF600  }
0x190: {  	_ =	swait.ge [sflag:s14], $0xA00  }
0x191: {  	[sflag:s14] =	ssyncset.done $0x0  }
0x192: {  	[sflag:s14] =	ssyncadd.s32 $0xFFFFF600  }
0x193: {  	_ =	swait.ge [sflag:s14], $0xA00  }
0x194: {  	[sflag:s14] =	ssyncset.done $0x0  }
0x195: {  	[sflag:s14] =	ssyncadd.s32 $0xFFFFF600  }
0x196: {  	_ =	swait.ge [sflag:s14], $0xA00  }
0x197: {  	[sflag:s14] =	ssyncset.done $0x0  }
0x198: {  	[sflag:s14] =	ssyncadd.s32 $0xFFFFF600  }
0x199: {  	_ =	swait.ge [sflag:s14], $0xA00  }
0x19a: {  	[sflag:s14] =	ssyncset.done $0x0  }
0x19b: {  	[sflag:s14] =	ssyncadd.s32 $0xFFFFF600  }
0x19c: {  	_ =	swait.ge [sflag:s14], $0xA00  }
0x19d: {  	[sflag:s14] =	ssyncset.done $0x0  }
0x19e: {  	[sflag:s14] =	ssyncadd.s32 $0xFFFFF600  }
0x19f: {  	_ =	swait.ge [sflag:s14], $0xA00  }
0x1a0: {  	[sflag:s14] =	ssyncset.done $0x0  }
0x1a1: {  	[sflag:s14] =	ssyncadd.s32 $0xFFFFF600  }
0x1a2: {  	_ =	swait.ge [sflag:s14], $0xA00  }
0x1a3: {  	[sflag:s14] =	ssyncset.done $0x0  }
0x1a4: {  	[sflag:s14] =	ssyncadd.s32 $0xFFFFF600  }
0x1a5: {  	_ =	swait.ge [sflag:s14], $0xA00  }
0x1a6: {  	[sflag:s14] =	ssyncset.done $0x0  }
0x1a7: {  	[sflag:s14] =	ssyncadd.s32 $0xFFFFF600  }
0x1a8: {  	_ =	swait.ge [sflag:s14], $0xA00  }
0x1a9: {  	[sflag:s14] =	ssyncset.done $0x0  }
0x1aa: {  	[sflag:s14] =	ssyncadd.s32 $0xFFFFF600  }
0x1ab: {  	_ =	swait.ge [sflag:s14], $0xA00  }
0x1ac: {  	[sflag:s14] =	ssyncset.done $0x0  }
0x1ad: {  	[sflag:s14] =	ssyncadd.s32 $0xFFFFF600  }
0x1ae: {  	_ =	swait.ge [sflag:s14], $0xA00  }
0x1af: {  	[sflag:s14] =	ssyncset.done $0x0  }
0x1b0: {  	[sflag:s14] =	ssyncadd.s32 $0xFFFFF600  }
0x1b1: {  	_ =	swait.ge [sflag:s14], $0xA00  }
0x1b2: {  	[sflag:s14] =	ssyncset.done $0x0  }
0x1b3: {  	[sflag:s14] =	ssyncadd.s32 $0xFFFFF600  }
0x1b4: {  	_ =	swait.ge [sflag:s14], $0xA00  }
0x1b5: {  	[sflag:s14] =	ssyncset.done $0x0  }
0x1b6: {  	[sflag:s14] =	ssyncadd.s32 $0xFFFFF600  }
0x1b7: {  	_ =	swait.ge [sflag:s14], $0xA00  }
0x1b8: {  	[sflag:s14] =	ssyncset.done $0x0  }
0x1b9: {  	[sflag:s14] =	ssyncadd.s32 $0xFFFFF600  }
0x1ba: {  	_ =	swait.ge [sflag:s14], $0xA00  }
0x1bb: {  	[sflag:s14] =	ssyncset.done $0x0  }
0x1bc: {  	[sflag:s14] =	ssyncadd.s32 $0xFFFFF600  }
0x1bd: {  	_ =	swait.ge [sflag:s14], $0xA00  }
0x1be: {  	[sflag:s14] =	ssyncset.done $0x0  }
0x1bf: {  	[sflag:s14] =	ssyncadd.s32 $0xFFFFF600  }
0x1c0: {  	_ =	swait.ge [sflag:s14], $0xA00  }
0x1c1: {  	[sflag:s14] =	ssyncset.done $0x0  }
0x1c2: {  	[sflag:s14] =	ssyncadd.s32 $0xFFFFF600  }
0x1c3: {  	_ =	swait.ge [sflag:s14], $0xA00  }
0x1c4: {  	[sflag:s14] =	ssyncset.done $0x0  }
0x1c5: {  	[sflag:s14] =	ssyncadd.s32 $0xFFFFF600  }
0x1c6: {  	_ =	swait.ge [sflag:s14], $0xA00  }
0x1c7: {  	[sflag:s14] =	ssyncset.done $0x0  }
0x1c8: {  	[sflag:s14] =	ssyncadd.s32 $0xFFFFF600  }
0x1c9: {  	_ =	swait.ge [sflag:s14], $0xA00  }
0x1ca: {  	[sflag:s14] =	ssyncset.done $0x0  }
0x1cb: {  	[sflag:s14] =	ssyncadd.s32 $0xFFFFF600  }
0x1cc: {  	_ =	swait.ge [sflag:s14], $0xA00  }
0x1cd: {  	[sflag:s14] =	ssyncset.done $0x0  }
0x1ce: {  	[sflag:s14] =	ssyncadd.s32 $0xFFFFF600  }
0x1cf: {  	_ =	swait.ge [sflag:s14], $0xA00  }
0x1d0: {  	[sflag:s14] =	ssyncset.done $0x0  }
0x1d1: {  	[sflag:s14] =	ssyncadd.s32 $0xFFFFF600  }
0x1d2: {  	_ =	swait.ge [sflag:s14], $0xA00  }
0x1d3: {  	[sflag:s14] =	ssyncset.done $0x0  }
0x1d4: {  	[sflag:s14] =	ssyncadd.s32 $0xFFFFF600  }
0x1d5: {  	_ =	swait.ge [sflag:s14], $0xA00  }
0x1d6: {  	[sflag:s14] =	ssyncset.done $0x0  }
0x1d7: {  	[sflag:s14] =	ssyncadd.s32 $0xFFFFF600  }
0x1d8: {  	_ =	swait.ge [sflag:s14], $0xA00  }
0x1d9: {  	[sflag:s14] =	ssyncset.done $0x0  }
0x1da: {  	[sflag:s14] =	ssyncadd.s32 $0xFFFFF600  }
0x1db: {  	_ =	swait.ge [sflag:s14], $0xA00  }
0x1dc: {  	[sflag:s14] =	ssyncset.done $0x0  }
0x1dd: {  	[sflag:s14] =	ssyncadd.s32 $0xFFFFF600  }
0x1de: {  	_ =	swait.ge [sflag:s14], $0xA00  }
0x1df: {  	[sflag:s14] =	ssyncset.done $0x0  }
0x1e0: {  	[sflag:s14] =	ssyncadd.s32 $0xFFFFF600  }
0x1e1: {  	_ =	swait.ge [sflag:s14], $0xA00  }
0x1e2: {  	[sflag:s14] =	ssyncset.done $0x0  }
0x1e3: {  	[sflag:s14] =	ssyncadd.s32 $0xFFFFF600  }
0x1e4: {  	_ =	swait.ge [sflag:s14], $0xA00  }
0x1e5: {  	[sflag:s14] =	ssyncset.done $0x0  }
0x1e6: {  	[sflag:s14] =	ssyncadd.s32 $0xFFFFF600  }
0x1e7: {  	_ =	swait.ge [sflag:s14], $0xA00  }
0x1e8: {  	[sflag:s14] =	ssyncset.done $0x0  }
0x1e9: {  	[sflag:s14] =	ssyncadd.s32 $0xFFFFF600  }
0x1ea: {  	_ =	swait.ge [sflag:s14], $0xA00  }
0x1eb: {  	[sflag:s14] =	ssyncset.done $0x0  }
0x1ec: {  	s20 =	simm.s32 $0x0;
	p0 =	por $0x1, $0x1;
	[sflag:s14] =	ssyncadd.s32 $0xFFFFF600  }
.LBB2_8:
0x1ed: {  	s21 =	sshll.u32 s20, $0x4  }
0x1ee: {  	v3 =	vld [tilespmem:s21+$0x80]  }
0x1ef: {  	s20 =	smul.u32 $0x180, s20;
	_ =	sdelay $0x1  }
0x1f0: {  	v4 =	vmov s20  }
0x1f1: {  	v5 =	vshll.u32 v4, $0x7  }
0x1f2: {  	v4 =	vand.u32 $0x7F, v3;
	v3 =	vadd.s32 v0, v5  }
0x1f3: {  	v3 =	vor.u32 v3, v4;
	_ =	sdelay $0x1  }
0x1f4: {  	s22 =	sor.u32 $0x1, s20  }
0x1f5: {  	v51 =	vmov s21;
	v6 =	vmov s22  }
0x1f6: {  	v6 =	vshll.u32 v6, $0x7;
	v5 =	vshll.u32 v51, $0x7  }
0x1f7: {  	v52 =	vadd.s32 v0, v6;
	v7 =	vld.idx.msk [tilespmem:v3+s15+$0x0], $0xffff;
	v3 =	vor.u32 v1, v5  }
0x1f8: {  	v5 =	vor.u32 v52, v4;
	_ =	sdelay $0x1  }
0x1f9: {  	s23 =	sor.u32 $0x2, s20  }
0x1fa: {  	v53 =	vmov s23  }
0x1fb: {  	v6 =	vshll.u32 v53, $0x7;
	[tilespmem:v3+s18+$0x0] =	vst.idx.msk $0xffff, v7  }
0x1fc: {  	v6 =	vadd.s32 v0, v6;
	v54 =	vor.u32 $0x1, v3;
	v5 =	vld.idx.msk [tilespmem:v5+s15+$0x0], $0xffff  }
0x1fd: {  	v6 =	vor.u32 v6, v4;
	_ =	sdelay $0x1  }
0x1fe: {  	s24 =	sor.u32 $0x3, s20  }
0x1ff: {  	v8 =	vmov s24  }
0x200: {  	v55 =	vshll.u32 v8, $0x7;
	[tilespmem:v54+s18+$0x0] =	vst.idx.msk $0xffff, v5  }
0x201: {  	v56 =	vor.u32 $0x2, v3;
	v5 =	vadd.s32 v0, v55;
	v6 =	vld.idx.msk [tilespmem:v6+s15+$0x0], $0xffff  }
0x202: {  	v5 =	vor.u32 v5, v4;
	_ =	sdelay $0x1  }
0x203: {  	s25 =	sor.u32 $0x4, s20  }
0x204: {  	v57 =	vmov s25  }
0x205: {  	v58 =	vshll.u32 v57, $0x7;
	[tilespmem:v56+s18+$0x0] =	vst.idx.msk $0xffff, v6  }
0x206: {  	v59 =	vor.u32 $0x3, v3;
	v6 =	vadd.s32 v0, v58;
	v5 =	vld.idx.msk [tilespmem:v5+s15+$0x0], $0xffff  }
0x207: {  	v6 =	vor.u32 v6, v4;
	_ =	sdelay $0x1  }
0x208: {  	s26 =	sor.u32 $0x5, s20  }
0x209: {  	v60 =	vmov s26  }
0x20a: {  	v61 =	vshll.u32 v60, $0x7;
	[tilespmem:v59+s18+$0x0] =	vst.idx.msk $0xffff, v5  }
0x20b: {  	v62 =	vor.u32 $0x4, v3;
	v5 =	vadd.s32 v0, v61;
	v6 =	vld.idx.msk [tilespmem:v6+s15+$0x0], $0xffff  }
0x20c: {  	v5 =	vor.u32 v5, v4;
	_ =	sdelay $0x1  }
0x20d: {  	s28 =	sor.u32 $0x6, s20  }
0x20e: {  	v63 =	vmov s28  }
0x20f: {  	v12 =	vshll.u32 v63, $0x7;
	[tilespmem:v62+s18+$0x0] =	vst.idx.msk $0xffff, v6  }
0x210: {  	v13 =	vor.u32 $0x5, v3;
	v6 =	vadd.s32 v0, v12;
	v5 =	vld.idx.msk [tilespmem:v5+s15+$0x0], $0xffff  }
0x211: {  	v6 =	vor.u32 v6, v4;
	_ =	sdelay $0x1  }
0x212: {  	s29 =	sor.u32 $0x7, s20  }
0x213: {  	v14 =	vmov s29  }
0x214: {  	v15 =	vshll.u32 v14, $0x7;
	[tilespmem:v13+s18+$0x0] =	vst.idx.msk $0xffff, v5  }
0x215: {  	v16 =	vor.u32 $0x6, v3;
	v5 =	vadd.s32 v0, v15;
	v6 =	vld.idx.msk [tilespmem:v6+s15+$0x0], $0xffff  }
0x216: {  	v5 =	vor.u32 v5, v4;
	_ =	sdelay $0x1  }
0x217: {  	s30 =	sor.u32 $0x8, s20  }
0x218: {  	v17 =	vmov s30  }
0x219: {  	v18 =	vshll.u32 v17, $0x7;
	[tilespmem:v16+s18+$0x0] =	vst.idx.msk $0xffff, v6  }
0x21a: {  	v19 =	vor.u32 $0x7, v3;
	v6 =	vadd.s32 v0, v18;
	v5 =	vld.idx.msk [tilespmem:v5+s15+$0x0], $0xffff  }
0x21b: {  	v6 =	vor.u32 v6, v4;
	_ =	sdelay $0x1  }
0x21c: {  	s31 =	sor.u32 $0x9, s20  }
0x21d: {  	v20 =	vmov s31  }
0x21e: {  	v21 =	vshll.u32 v20, $0x7;
	[tilespmem:v19+s18+$0x0] =	vst.idx.msk $0xffff, v5  }
0x21f: {  	v22 =	vor.u32 $0x8, v3;
	v5 =	vadd.s32 v0, v21;
	v6 =	vld.idx.msk [tilespmem:v6+s15+$0x0], $0xffff  }
0x220: {  	v5 =	vor.u32 v5, v4;
	_ =	sdelay $0x1  }
0x221: {  	s22 =	sor.u32 $0xA, s20  }
0x222: {  	v23 =	vmov s22  }
0x223: {  	v24 =	vshll.u32 v23, $0x7;
	[tilespmem:v22+s18+$0x0] =	vst.idx.msk $0xffff, v6  }
0x224: {  	v25 =	vor.u32 $0x9, v3;
	v6 =	vadd.s32 v0, v24;
	v5 =	vld.idx.msk [tilespmem:v5+s15+$0x0], $0xffff  }
0x225: {  	v6 =	vor.u32 v6, v4;
	_ =	sdelay $0x1  }
0x226: {  	s23 =	sor.u32 $0xB, s20  }
0x227: {  	v26 =	vmov s23  }
0x228: {  	v27 =	vshll.u32 v26, $0x7;
	[tilespmem:v25+s18+$0x0] =	vst.idx.msk $0xffff, v5  }
0x229: {  	v28 =	vor.u32 $0xA, v3;
	v5 =	vadd.s32 v0, v27;
	v6 =	vld.idx.msk [tilespmem:v6+s15+$0x0], $0xffff  }
0x22a: {  	v5 =	vor.u32 v5, v4;
	_ =	sdelay $0x1  }
0x22b: {  	s24 =	sor.u32 $0xC, s20  }
0x22c: {  	v29 =	vmov s24  }
0x22d: {  	v30 =	vshll.u32 v29, $0x7;
	[tilespmem:v28+s18+$0x0] =	vst.idx.msk $0xffff, v6  }
0x22e: {  	v31 =	vor.u32 $0xB, v3;
	v6 =	vadd.s32 v0, v30;
	v5 =	vld.idx.msk [tilespmem:v5+s15+$0x0], $0xffff  }
0x22f: {  	v6 =	vor.u32 v6, v4;
	_ =	sdelay $0x1  }
0x230: {  	s25 =	sor.u32 $0xD, s20  }
0x231: {  	v32 =	vmov s25  }
0x232: {  	v33 =	vshll.u32 v32, $0x7;
	[tilespmem:v31+s18+$0x0] =	vst.idx.msk $0xffff, v5  }
0x233: {  	v34 =	vor.u32 $0xC, v3;
	v5 =	vadd.s32 v0, v33;
	v6 =	vld.idx.msk [tilespmem:v6+s15+$0x0], $0xffff  }
0x234: {  	v5 =	vor.u32 v5, v4;
	_ =	sdelay $0x1  }
0x235: {  	s26 =	sor.u32 $0xE, s20  }
0x236: {  	v35 =	vmov s26  }
0x237: {  	v36 =	vshll.u32 v35, $0x7;
	[tilespmem:v34+s18+$0x0] =	vst.idx.msk $0xffff, v6  }
0x238: {  	v37 =	vor.u32 $0xD, v3;
	v6 =	vadd.s32 v0, v36;
	v5 =	vld.idx.msk [tilespmem:v5+s15+$0x0], $0xffff  }
0x239: {  	v6 =	vor.u32 v6, v4;
	_ =	sdelay $0x1  }
0x23a: {  	s28 =	sor.u32 $0xF, s20  }
0x23b: {  	v38 =	vmov s28  }
0x23c: {  	v39 =	vshll.u32 v38, $0x7;
	[tilespmem:v37+s18+$0x0] =	vst.idx.msk $0xffff, v5  }
0x23d: {  	v40 =	vor.u32 $0xE, v3;
	v5 =	vadd.s32 v0, v39;
	v6 =	vld.idx.msk [tilespmem:v6+s15+$0x0], $0xffff  }
0x23e: {  	v5 =	vor.u32 v5, v4;
	_ =	sdelay $0x1  }
0x23f: {  	s29 =	sor.u32 $0x10, s20  }
0x240: {  	v41 =	vmov s29  }
0x241: {  	v42 =	vshll.u32 v41, $0x7;
	[tilespmem:v40+s18+$0x0] =	vst.idx.msk $0xffff, v6  }
0x242: {  	v43 =	vor.u32 $0xF, v3;
	v6 =	vadd.s32 v0, v42;
	v5 =	vld.idx.msk [tilespmem:v5+s15+$0x0], $0xffff  }
0x243: {  	v6 =	vor.u32 v6, v4;
	_ =	sdelay $0x1  }
0x244: {  	s30 =	sor.u32 $0x11, s20  }
0x245: {  	v44 =	vmov s30  }
0x246: {  	v45 =	vshll.u32 v44, $0x7;
	[tilespmem:v43+s18+$0x0] =	vst.idx.msk $0xffff, v5  }
0x247: {  	v46 =	vor.u32 $0x10, v3;
	v5 =	vadd.s32 v0, v45;
	v6 =	vld.idx.msk [tilespmem:v6+s15+$0x0], $0xffff  }
0x248: {  	v5 =	vor.u32 v5, v4;
	_ =	sdelay $0x1  }
0x249: {  	s31 =	sor.u32 $0x12, s20  }
0x24a: {  	v47 =	vmov s31  }
0x24b: {  	v48 =	vshll.u32 v47, $0x7;
	[tilespmem:v46+s18+$0x0] =	vst.idx.msk $0xffff, v6  }
0x24c: {  	v49 =	vor.u32 $0x11, v3;
	v6 =	vadd.s32 v0, v48;
	v5 =	vld.idx.msk [tilespmem:v5+s15+$0x0], $0xffff  }
0x24d: {  	v6 =	vor.u32 v6, v4;
	_ =	sdelay $0x1  }
0x24e: {  	s20 =	sor.u32 $0x13, s20  }
0x24f: {  	v50 =	vmov s20  }
0x250: {  	v51 =	vshll.u32 v50, $0x7;
	[tilespmem:v49+s18+$0x0] =	vst.idx.msk $0xffff, v5  }
0x251: {  	v52 =	vor.u32 $0x12, v3;
	v5 =	vadd.s32 v0, v51;
	v6 =	vld.idx.msk [tilespmem:v6+s15+$0x0], $0xffff  }
0x252: {  	v4 =	vor.u32 v5, v4;
	_ =	sdelay $0x3  }
0x253: {  	[tilespmem:v52+s18+$0x0] =	vst.idx.msk $0xffff, v6  }
0x254: {  	v53 =	vor.u32 $0x13, v3;
	v4 =	vld.idx.msk [tilespmem:v4+s15+$0x0], $0xffff  }
0x255: {  	v54 =	vor.u32 $0x14, v3  }
0x256: {  	v55 =	vor.u32 $0x15, v3  }
0x257: {  	v56 =	vor.u32 $0x16, v3  }
0x258: {  	v9 =	vor.u32 $0x17, v3  }
0x259: {  	v57 =	vor.u32 $0x18, v3;
	[tilespmem:v53+s18+$0x0] =	vst.idx.msk $0xffff, v4  }
0x25a: {  	v58 =	vor.u32 $0x19, v3;
	[tilespmem:v54+s18+$0x0] =	vst.idx.msk $0xffff, v2  }
0x25b: {  	v59 =	vor.u32 $0x1A, v3;
	[tilespmem:v55+s18+$0x0] =	vst.idx.msk $0xffff, v2  }
0x25c: {  	v60 =	vor.u32 $0x1B, v3;
	[tilespmem:v56+s18+$0x0] =	vst.idx.msk $0xffff, v2  }
0x25d: {  	v61 =	vor.u32 $0x1C, v3;
	[tilespmem:v9+s18+$0x0] =	vst.idx.msk $0xffff, v2  }
0x25e: {  	v62 =	vor.u32 $0x1D, v3;
	[tilespmem:v57+s18+$0x0] =	vst.idx.msk $0xffff, v2  }
0x25f: {  	v63 =	vor.u32 $0x1E, v3;
	[tilespmem:v58+s18+$0x0] =	vst.idx.msk $0xffff, v2  }
0x260: {  	p1 =	por p0, p0;
	v3 =	vor.u32 $0x1F, v3;
	[tilespmem:v59+s18+$0x0] =	vst.idx.msk $0xffff, v2  }
.Ltmp3:
0x261: {  	[tilespmem:v60+s18+$0x0] =	vst.idx.msk $0xffff, v2;
	(pc) =	sbr.rel @p1 .LBB2_8-.Ltmp3, $4  }
0x262: {  	[tilespmem:v61+s18+$0x0] =	vst.idx.msk $0xffff, v2  }
0x263: {  	[tilespmem:v62+s18+$0x0] =	vst.idx.msk $0xffff, v2  }
0x264: {  	[tilespmem:v63+s18+$0x0] =	vst.idx.msk $0xffff, v2  }
0x265: {  	p0 =	por $0x0, $0x0;
	s20 =	simm.s32 $0x1;
	[tilespmem:v3+s18+$0x0] =	vst.idx.msk $0xffff, v2  }
0x266: {  	s19 =	sadd.s32 $0x1, s19  }
0x267: {  	p0 =	sne.s32 s19, s9  }
.Ltmp4:
0x268: {  	_ = 	snop;
	(pc) =	sbr.rel @p0 .LBB2_1-.Ltmp4, $4  }
0x269: {  	[hbm4b:s8+s4] =	stream.linear.scatter [tilespmem:s18], [sflag:$0x2], $0x1000, $0x38;
	[tilespmem:$0x1A100] =	vst v63  }
0x26a: {  	_ =	swait.ge [sflag:s10], $0x1000  }
0x26b: {  	[sflag:s10] =	ssyncset.done $0x0  }
0x26c: {  	[sflag:s10] =	ssyncadd.s32 $0xFFFFF000  }
0x26d: {  	_ =	sfence.sel $0x180000  }
0x26e: {  	[bflag:$0x0] =	sbarrier.arrive $0xFFFF  }
0x26f: {  	p0 =	sne.s32 s3, $0x0;
	_ =	strace $0x90000047  }
0x270: {  	s0 =	sadd.s32 @!p0 $0x100000, s0;
	[bflag:$0x2] =	sbarrier.arrive $0xFFFF  }
0x271: {  	[sflag:s0] =	ssyncadd.tile.s32 @!p0 $0x1;
	_ =	shalt  }
.Lfunc_end2:
_tile_overlayer_lowered:
.L_overlay_start_2:
0x272: {  	(tag) =	ssettag $0x2  }
0x273: {  	s0 =	rddreg [dreg:$0x0];
	s2 =	stileid.u32  }
0x274: {  	s1 =	rddreg [dreg:$0x1];
	p0 =	sne.s32 s2, $0x0  }
0x275: {  	s3 =	rddreg [dreg:$0x2];
	[bflag:$0x3] =	sbarrier.arrive $0xFFFF;
	s2 =	simm.s32 @!p0 $0x1C02  }
0x276: {  	[timem:s3], [sflag:s2] =	dma.local @!p0 [hbm:s0], s1  }
0x277: {  	s0 =	simm.s32 @!p0 $0x2  }
0x278: {  	_ =	swait.ge @!p0 [sflag:s0], s1  }
0x279: {  	s1 =	ssub.s32 @!p0 $0x0, s1;
	[sflag:s0] =	ssyncset.done @!p0 $0x0  }
0x27a: {  	[sflag:s0] =	ssyncadd.s32 @!p0 s1  }
0x27b: {  	[bflag:$0x3] =	sbarrier.arrive $0xFFFF  }
0x27c: {  	_ =	shalt  }

</sc_bundles>
